<compile_context>
chip_gen: v7x
topology: tpu7x:2x2x1
jax: 0.10.2.dev20260603
libtpu: 0.0.44.dev20260713+nightly
codegen_flags: <defaults>
</compile_context>

<pallas_src>
import functools

import jax
import jax.numpy as jnp
import numpy as np
from jax import lax
from jax.experimental import pallas as pl
from jax.experimental.pallas import tpu as pltpu
from jax.experimental.pallas import tpu_sc as plsc

B = 4
HW = 512 * 512
L = 1024
N = B * L
D = 128
IBLK = 256


def _threefry2x32_raw(ks, c1, c2):
    rotations = ((13, 15, 26, 6), (17, 29, 16, 24))

    def rotl(x, d):
        return ((x << np.uint32(d)) | (x >> np.uint32(32 - d))).astype(
            np.uint32)

    with np.errstate(over="ignore"):
        k0, k1 = np.uint32(ks[0]), np.uint32(ks[1])
        k2 = np.uint32(k0 ^ k1 ^ np.uint32(0x1BD11BDA))
        keys = (k0, k1, k2)
        x = [c1.astype(np.uint32) + k0, c2.astype(np.uint32) + k1]
        for i in range(5):
            for rot in rotations[i % 2]:
                x[0] = (x[0] + x[1]).astype(np.uint32)
                x[1] = x[0] ^ rotl(x[1], rot)
            x[0] = (x[0] + keys[(i + 1) % 3]).astype(np.uint32)
            x[1] = (x[1] + keys[(i + 2) % 3] + np.uint32(i + 1)).astype(
                np.uint32)
    return x[0], x[1]


def _np_split(key):
    b1, b2 = _threefry2x32_raw(key, np.zeros(2, np.uint32),
                               np.arange(2, dtype=np.uint32))
    return np.stack([b1, b2], axis=1)


def _np_random_bits(key, n):
    b1, b2 = _threefry2x32_raw(key, np.zeros(n, np.uint32),
                               np.arange(n, dtype=np.uint32))
    return b1 ^ b2


def _np_randint_mod(key, n, span):
    sub = _np_split(key)
    y = _np_random_bits(sub[0], n)
    z = _np_random_bits(sub[1], n)
    span = np.uint32(span)
    mult = ((np.uint64(65536 % span) ** 2) % np.uint64(span)).astype(np.uint32)
    with np.errstate(over="ignore"):
        r = ((y % span) * mult + (z % span)) % span
    return r.astype(np.int64)


@functools.lru_cache(maxsize=None)
def _gather_indices():
    root = np.array([0, 42], dtype=np.uint32)
    k_in, k_tg = _np_split(root)
    rows, lanes = [], []
    t = np.arange(N, dtype=np.int64)
    for k in (k_in, k_tg):
        r = _np_randint_mod(k, N, 256)
        f = 256 * t + r
        b = f // (256 * L)
        c = (f % (256 * L)) // L
        p = f % L
        h = (p // 32) * 16 + c // 16
        w = (p % 32) * 16 + c % 16
        addr = b * HW + h * 512 + w
        rows.append(addr // D)
        lanes.append(addr % D)
    return (np.asarray(rows, dtype=np.int32),
            np.asarray(lanes, dtype=np.int32))


def _sc_gather(table_in, table_tg, rows):
    info = plsc.get_sparse_core_info()
    nw = info.num_cores * info.num_subcores
    bpw = N // nw

    mesh = plsc.VectorSubcoreMesh(core_axis_name="c", subcore_axis_name="s")

    @functools.partial(
        pl.kernel,
        mesh=mesh,
        out_type=jax.ShapeDtypeStruct((2, N, D), jnp.float32),
        scratch_types=[
            pltpu.VMEM((bpw,), jnp.int32),
            pltpu.VMEM((bpw, D), jnp.float32),
            pltpu.SemaphoreType.DMA,
        ],
    )
    def k(tab_in, tab_tg, rows_hbm, out, rowv, rbuf, sem):
        wid = lax.axis_index("s") * info.num_cores + lax.axis_index("c")
        base = wid * bpw
        for img, tab in ((0, tab_in), (1, tab_tg)):
            pltpu.sync_copy(rows_hbm.at[img, pl.ds(base, bpw)], rowv)
            pltpu.async_copy(tab.at[rowv], rbuf, sem).wait()
            pltpu.sync_copy(rbuf, out.at[img, pl.ds(base, bpw)])

    return k(table_in, table_tg, rows)


NTILE = L // IBLK
_TILE_PAIRS = ([(t, t, True) for t in range(NTILE)]
               + [(i, j, False) for i in range(NTILE)
                  for j in range(i + 1, NTILE)])
CNT_OFF = float(B * (NTILE * (NTILE - 1) // 2) * IBLK * IBLK)
CNT_DIAG = float(B * NTILE * IBLK * IBLK)
NDIAG = float(B * L)


@functools.lru_cache(maxsize=None)
def _lane_onehot():
    _, lanes = _gather_indices()
    oh = np.zeros((2 * N, D), dtype=np.float32)
    oh[np.arange(2 * N), lanes.reshape(2 * N)] = 1.0
    return oh


def _fused_loss_body(rows_ref, oh_ref, out_ref):
    s = jnp.sum(rows_ref[:, :] * oh_ref[:, :], axis=1)
    xs = s[:N].reshape(B, L)
    ts = s[N:].reshape(B, L)

    acc = {True: [0.0, 0.0, 0.0], False: [0.0, 0.0, 0.0]}
    for ti, tj, is_diag in _TILE_PAIRS:
        xi = xs[:, ti * IBLK:(ti + 1) * IBLK][:, :, None]
        ui = ts[:, ti * IBLK:(ti + 1) * IBLK][:, :, None]
        xj = xs[:, tj * IBLK:(tj + 1) * IBLK][:, None, :]
        uj = ts[:, tj * IBLK:(tj + 1) * IBLK][:, None, :]

        dt = ui - uj
        dx = xi - xj
        is_eq = jnp.abs(dt) < 0.02

        e = jnp.exp(jnp.where(dt > 0, -dx, dx))
        of = 1.0 + e
        wk = 1.0 - 1.0 / of
        ordv = (wk * wk) * jnp.log(of)

        a = acc[is_diag]
        a[0] += jnp.sum(jnp.where(is_eq, 0.0, ordv))
        a[1] += jnp.sum(jnp.where(is_eq, dx * dx, 0.0))
        a[2] += jnp.sum(jnp.where(is_eq, 1.0, 0.0))

    dacc, oacc = acc[True], acc[False]
    t_ord = oacc[0] + 0.5 * dacc[0]
    t_mse = oacc[1] + 0.5 * dacc[1]
    t_ef = oacc[2] + 0.5 * (dacc[2] - NDIAG)
    t_nf = (CNT_OFF - oacc[2]) + 0.5 * (CNT_DIAG - dacc[2])
    ord_mean = t_ord / jnp.maximum(t_nf, 1.0)
    mse_mean = t_mse / jnp.maximum(t_ef, 1.0)
    out_ref[:, :] = jnp.reshape(ord_mean + mse_mean, (1, 1))


def _fused_loss(rows, interpret=False):
    out = pl.pallas_call(
        _fused_loss_body,
        out_shape=jax.ShapeDtypeStruct((1, 1), jnp.float32),
        interpret=interpret,
    )(rows, jnp.asarray(_lane_onehot()))
    return out.reshape(())


def kernel(input, target):
    rows, lanes = _gather_indices()
    table_in = input.reshape(HW * B // D, D)
    table_tg = target.reshape(HW * B // D, D)
    gathered = _sc_gather(table_in, table_tg, jnp.asarray(rows))
    return _fused_loss(gathered.reshape(2 * N, D))

# --- scband reference (transcript-rebuilt; emitter-appended) ---
"""Pipeline reference for scband-global-focal-relative-loss-67980742361394 (READ-ONLY COPY).

The authoritative reference and input builder live on the scoring server;
editing this copy changes nothing except your own understanding.
"""

import jax, jax.numpy as jnp
import numpy as np

def _unfold16(x):
    B, C, H, W = x.shape
    n = 16
    ph, pw = H // n, W // n
    xb = x.reshape(B, C, ph, n, pw, n)
    xb = jnp.transpose(xb, (0, 1, 3, 5, 2, 4))
    return xb.reshape(B, C * n * n, ph * pw)

def _create_pixel_pairs(x, key):
    B = x.shape[0]
    blocks = _unfold16(x)
    L = blocks.shape[-1]
    flat = blocks.reshape(-1)
    total = B * L
    r = jax.random.randint(key, (total,), 0, 256)
    idx = 256 * jnp.arange(total) + r
    samples = flat[idx].reshape(B, L)
    i_idx, j_idx = jnp.triu_indices(L, k=1)
    d1 = samples[:, i_idx].reshape(-1)
    d2 = samples[:, j_idx].reshape(-1)
    return d1, d2

def setup_inputs(seed: int = 0):
    key = jax.random.key(seed)
    k1, k2 = jax.random.split(key)
    inp = jax.random.uniform(k1, (4, 1, 512, 512), dtype=jnp.float32)
    tgt = jax.random.uniform(k2, (4, 1, 512, 512), dtype=jnp.float32)
    return {"input": inp, "target": tgt}

def reference(input, target):
    key = jax.random.key(42)
    k_in, k_tg = jax.random.split(key)
    d1_i, d2_i = _create_pixel_pairs(input, k_in)
    d1_t, d2_t = _create_pixel_pairs(target, k_tg)
    equal_mask = jnp.abs(d1_t - d2_t) < 0.02
    noneq = jnp.logical_not(equal_mask)
    lesser = d1_t < d2_t
    greater = d1_t > d2_t
    ordinal_mask = greater.astype(jnp.float32) - lesser.astype(jnp.float32)
    ord_factor = 1.0 + jnp.exp(-ordinal_mask * (d1_i - d2_i))
    wk = 1.0 - 1.0 / ord_factor
    ordinal_loss = (wk ** 2) * jnp.log(ord_factor)
    mse = (d1_i - d2_i) ** 2
    nf = noneq.astype(jnp.float32)
    ef = equal_mask.astype(jnp.float32)
    ord_mean = jnp.sum(ordinal_loss * nf) / jnp.maximum(jnp.sum(nf), 1.0)
    mse_mean = jnp.sum(mse * ef) / jnp.maximum(jnp.sum(ef), 1.0)
    return ord_mean + mse_mean

if __name__ == "__main__":
    import jax
    _d = setup_inputs()
    print(jax.jit(kernel)(*tuple(_d.values())))

</pallas_src>

<mosaic_0001>
#map = affine_map<(d0, d1) -> (0, 0)>
#map1 = affine_map<(d0, d1) -> (0, 0, 0)>
module attributes {stable_mosaic.version = 14 : i64} {
  func.func @k(%arg0: i32, %arg1: i32, %arg2: memref<8192x128xf32, #tpu.memory_space<hbm>>, %arg3: memref<8192x128xf32, #tpu.memory_space<hbm>>, %arg4: memref<2x4096xi32, #tpu.memory_space<hbm>>, %arg5: memref<2x4096x128xf32, #tpu.memory_space<hbm>>, %arg6: memref<128xi32, #tpu.memory_space<vmem>>, %arg7: memref<128x128xf32, #tpu.memory_space<vmem>>, %arg8: memref<!tpu.dma_semaphore, #tpu.memory_space<semaphore_mem>>) attributes {dimension_semantics = [#tpu.dimension_semantics<core_parallel>, #tpu.dimension_semantics<subcore_parallel>], iteration_bounds = array<i64: 2, 16>, scalar_prefetch = 0 : i64, scratch_operands = 3 : i64, tpu.core_type = #tpu.core_type<sc_vector_subcore>, window_params = [{transform_indices = #map}, {transform_indices = #map}, {transform_indices = #map}, {transform_indices = #map1}]} {
    %mul3A = arith.constant 2 : i32
    %mul3A_0 = arith.muli %arg1, %mul3A : i32
    %add3A = arith.addi %mul3A_0, %arg0 : i32
    %mul3A_1 = arith.constant 128 : i32
    %mul3A_2 = arith.muli %add3A, %mul3A_1 : i32
    %run_scoped3A = arith.constant 0 : i32
    "tpu.region"() ({
      %run_scoped3A_16 = tpu.sem_alloc : memref<!tpu.dma_semaphore, #tpu.memory_space<semaphore_mem>>
      %dma_start3A_17 = tpu.memref_slice %arg4[%run_scoped3A, %mul3A_2] : memref<2x4096xi32, #tpu.memory_space<hbm>> -> memref<1x128xi32, #tpu.memory_space<hbm>>
      %dma_start3A_18 = tpu.memref_squeeze %dma_start3A_17 : memref<1x128xi32, #tpu.memory_space<hbm>> -> memref<128xi32, #tpu.memory_space<hbm>>
      %dma_start3A_19 = tpu.memref_slice %arg4[%run_scoped3A, %mul3A_2] : memref<2x4096xi32, #tpu.memory_space<hbm>> -> memref<1x128xi32, #tpu.memory_space<hbm>>
      %dma_start3A_20 = tpu.memref_squeeze %dma_start3A_19 : memref<1x128xi32, #tpu.memory_space<hbm>> -> memref<128xi32, #tpu.memory_space<hbm>>
      tpu.enqueue_dma source(%dma_start3A_20 : memref<128xi32, #tpu.memory_space<hbm>>) target(%arg6 : memref<128xi32, #tpu.memory_space<vmem>>) target_semaphore(%run_scoped3A_16 : memref<!tpu.dma_semaphore, #tpu.memory_space<semaphore_mem>>)
      %dma_wait3A_21 = tpu.memref_slice %arg4[%run_scoped3A, %mul3A_2] : memref<2x4096xi32, #tpu.memory_space<hbm>> -> memref<1x128xi32, #tpu.memory_space<hbm>>
      %dma_wait3A_22 = tpu.memref_squeeze %dma_wait3A_21 : memref<1x128xi32, #tpu.memory_space<hbm>> -> memref<128xi32, #tpu.memory_space<hbm>>
      %dma_wait3A_23 = tpu.memref_slice %arg4[%run_scoped3A, %mul3A_2] : memref<2x4096xi32, #tpu.memory_space<hbm>> -> memref<1x128xi32, #tpu.memory_space<hbm>>
      %dma_wait3A_24 = tpu.memref_squeeze %dma_wait3A_23 : memref<1x128xi32, #tpu.memory_space<hbm>> -> memref<128xi32, #tpu.memory_space<hbm>>
      tpu.wait_dma2 semaphore(%run_scoped3A_16 : memref<!tpu.dma_semaphore, #tpu.memory_space<semaphore_mem>>) src(%dma_wait3A_24 : memref<128xi32, #tpu.memory_space<hbm>>) dst(%arg6 : memref<128xi32, #tpu.memory_space<vmem>>)
      tpu.yield
    }) : () -> ()
    %dma_start3A = arith.constant 0 : i32
    %dma_start3A_3 = arith.constant 0 : i32
    %dma_start3A_4 = tpu.memref_slice %arg2[%dma_start3A, %dma_start3A_3] : memref<8192x128xf32, #tpu.memory_space<hbm>> -> memref<8192x128xf32, #tpu.memory_space<hbm>>
    tpu.enqueue_indirect_dma source(%dma_start3A_4 : memref<8192x128xf32, #tpu.memory_space<hbm>>) target(%arg7 : memref<128x128xf32, #tpu.memory_space<vmem>>) offsets(%arg6 : memref<128xi32, #tpu.memory_space<vmem>>) semaphore(%arg8 : memref<!tpu.dma_semaphore, #tpu.memory_space<semaphore_mem>>)
    %dma_wait3A = arith.constant 0 : i32
    %dma_wait3A_5 = arith.constant 0 : i32
    %dma_wait3A_6 = tpu.memref_slice %arg2[%dma_wait3A, %dma_wait3A_5] : memref<8192x128xf32, #tpu.memory_space<hbm>> -> memref<8192x128xf32, #tpu.memory_space<hbm>>
    tpu.wait_indirect_dma semaphore(%arg8 : memref<!tpu.dma_semaphore, #tpu.memory_space<semaphore_mem>>) src(%dma_wait3A_6 : memref<8192x128xf32, #tpu.memory_space<hbm>>) dst(%arg7 : memref<128x128xf32, #tpu.memory_space<vmem>>)
    %run_scoped3A_7 = arith.constant 0 : i32
    "tpu.region"() ({
      %run_scoped3A_16 = tpu.sem_alloc : memref<!tpu.dma_semaphore, #tpu.memory_space<semaphore_mem>>
      %dma_start3A_17 = arith.constant 0 : i32
      %dma_start3A_18 = tpu.memref_slice %arg5[%run_scoped3A_7, %mul3A_2, %dma_start3A_17] : memref<2x4096x128xf32, #tpu.memory_space<hbm>> -> memref<1x128x128xf32, #tpu.memory_space<hbm>>
      %dma_start3A_19 = tpu.memref_squeeze %dma_start3A_18 : memref<1x128x128xf32, #tpu.memory_space<hbm>> -> memref<128x128xf32, #tpu.memory_space<hbm>>
      %dma_start3A_20 = arith.constant 0 : i32
      %dma_start3A_21 = tpu.memref_slice %arg5[%run_scoped3A_7, %mul3A_2, %dma_start3A_20] : memref<2x4096x128xf32, #tpu.memory_space<hbm>> -> memref<1x128x128xf32, #tpu.memory_space<hbm>>
      %dma_start3A_22 = tpu.memref_squeeze %dma_start3A_21 : memref<1x128x128xf32, #tpu.memory_space<hbm>> -> memref<128x128xf32, #tpu.memory_space<hbm>>
      tpu.enqueue_dma source(%arg7 : memref<128x128xf32, #tpu.memory_space<vmem>>) target(%dma_start3A_22 : memref<128x128xf32, #tpu.memory_space<hbm>>) target_semaphore(%run_scoped3A_16 : memref<!tpu.dma_semaphore, #tpu.memory_space<semaphore_mem>>)
      %dma_wait3A_23 = arith.constant 0 : i32
      %dma_wait3A_24 = tpu.memref_slice %arg5[%run_scoped3A_7, %mul3A_2, %dma_wait3A_23] : memref<2x4096x128xf32, #tpu.memory_space<hbm>> -> memref<1x128x128xf32, #tpu.memory_space<hbm>>
      %dma_wait3A_25 = tpu.memref_squeeze %dma_wait3A_24 : memref<1x128x128xf32, #tpu.memory_space<hbm>> -> memref<128x128xf32, #tpu.memory_space<hbm>>
      %dma_wait3A_26 = arith.constant 0 : i32
      %dma_wait3A_27 = tpu.memref_slice %arg5[%run_scoped3A_7, %mul3A_2, %dma_wait3A_26] : memref<2x4096x128xf32, #tpu.memory_space<hbm>> -> memref<1x128x128xf32, #tpu.memory_space<hbm>>
      %dma_wait3A_28 = tpu.memref_squeeze %dma_wait3A_27 : memref<1x128x128xf32, #tpu.memory_space<hbm>> -> memref<128x128xf32, #tpu.memory_space<hbm>>
      tpu.wait_dma2 semaphore(%run_scoped3A_16 : memref<!tpu.dma_semaphore, #tpu.memory_space<semaphore_mem>>) src(%arg7 : memref<128x128xf32, #tpu.memory_space<vmem>>) dst(%dma_wait3A_28 : memref<128x128xf32, #tpu.memory_space<hbm>>)
      tpu.yield
    }) : () -> ()
    %run_scoped3A_8 = arith.constant 1 : i32
    "tpu.region"() ({
      %run_scoped3A_16 = tpu.sem_alloc : memref<!tpu.dma_semaphore, #tpu.memory_space<semaphore_mem>>
      %dma_start3A_17 = tpu.memref_slice %arg4[%run_scoped3A_8, %mul3A_2] : memref<2x4096xi32, #tpu.memory_space<hbm>> -> memref<1x128xi32, #tpu.memory_space<hbm>>
      %dma_start3A_18 = tpu.memref_squeeze %dma_start3A_17 : memref<1x128xi32, #tpu.memory_space<hbm>> -> memref<128xi32, #tpu.memory_space<hbm>>
      %dma_start3A_19 = tpu.memref_slice %arg4[%run_scoped3A_8, %mul3A_2] : memref<2x4096xi32, #tpu.memory_space<hbm>> -> memref<1x128xi32, #tpu.memory_space<hbm>>
      %dma_start3A_20 = tpu.memref_squeeze %dma_start3A_19 : memref<1x128xi32, #tpu.memory_space<hbm>> -> memref<128xi32, #tpu.memory_space<hbm>>
      tpu.enqueue_dma source(%dma_start3A_20 : memref<128xi32, #tpu.memory_space<hbm>>) target(%arg6 : memref<128xi32, #tpu.memory_space<vmem>>) target_semaphore(%run_scoped3A_16 : memref<!tpu.dma_semaphore, #tpu.memory_space<semaphore_mem>>)
      %dma_wait3A_21 = tpu.memref_slice %arg4[%run_scoped3A_8, %mul3A_2] : memref<2x4096xi32, #tpu.memory_space<hbm>> -> memref<1x128xi32, #tpu.memory_space<hbm>>
      %dma_wait3A_22 = tpu.memref_squeeze %dma_wait3A_21 : memref<1x128xi32, #tpu.memory_space<hbm>> -> memref<128xi32, #tpu.memory_space<hbm>>
      %dma_wait3A_23 = tpu.memref_slice %arg4[%run_scoped3A_8, %mul3A_2] : memref<2x4096xi32, #tpu.memory_space<hbm>> -> memref<1x128xi32, #tpu.memory_space<hbm>>
      %dma_wait3A_24 = tpu.memref_squeeze %dma_wait3A_23 : memref<1x128xi32, #tpu.memory_space<hbm>> -> memref<128xi32, #tpu.memory_space<hbm>>
      tpu.wait_dma2 semaphore(%run_scoped3A_16 : memref<!tpu.dma_semaphore, #tpu.memory_space<semaphore_mem>>) src(%dma_wait3A_24 : memref<128xi32, #tpu.memory_space<hbm>>) dst(%arg6 : memref<128xi32, #tpu.memory_space<vmem>>)
      tpu.yield
    }) : () -> ()
    %dma_start3A_9 = arith.constant 0 : i32
    %dma_start3A_10 = arith.constant 0 : i32
    %dma_start3A_11 = tpu.memref_slice %arg3[%dma_start3A_9, %dma_start3A_10] : memref<8192x128xf32, #tpu.memory_space<hbm>> -> memref<8192x128xf32, #tpu.memory_space<hbm>>
    tpu.enqueue_indirect_dma source(%dma_start3A_11 : memref<8192x128xf32, #tpu.memory_space<hbm>>) target(%arg7 : memref<128x128xf32, #tpu.memory_space<vmem>>) offsets(%arg6 : memref<128xi32, #tpu.memory_space<vmem>>) semaphore(%arg8 : memref<!tpu.dma_semaphore, #tpu.memory_space<semaphore_mem>>)
    %dma_wait3A_12 = arith.constant 0 : i32
    %dma_wait3A_13 = arith.constant 0 : i32
    %dma_wait3A_14 = tpu.memref_slice %arg3[%dma_wait3A_12, %dma_wait3A_13] : memref<8192x128xf32, #tpu.memory_space<hbm>> -> memref<8192x128xf32, #tpu.memory_space<hbm>>
    tpu.wait_indirect_dma semaphore(%arg8 : memref<!tpu.dma_semaphore, #tpu.memory_space<semaphore_mem>>) src(%dma_wait3A_14 : memref<8192x128xf32, #tpu.memory_space<hbm>>) dst(%arg7 : memref<128x128xf32, #tpu.memory_space<vmem>>)
    %run_scoped3A_15 = arith.constant 1 : i32
    "tpu.region"() ({
      %run_scoped3A_16 = tpu.sem_alloc : memref<!tpu.dma_semaphore, #tpu.memory_space<semaphore_mem>>
      %dma_start3A_17 = arith.constant 0 : i32
      %dma_start3A_18 = tpu.memref_slice %arg5[%run_scoped3A_15, %mul3A_2, %dma_start3A_17] : memref<2x4096x128xf32, #tpu.memory_space<hbm>> -> memref<1x128x128xf32, #tpu.memory_space<hbm>>
      %dma_start3A_19 = tpu.memref_squeeze %dma_start3A_18 : memref<1x128x128xf32, #tpu.memory_space<hbm>> -> memref<128x128xf32, #tpu.memory_space<hbm>>
      %dma_start3A_20 = arith.constant 0 : i32
      %dma_start3A_21 = tpu.memref_slice %arg5[%run_scoped3A_15, %mul3A_2, %dma_start3A_20] : memref<2x4096x128xf32, #tpu.memory_space<hbm>> -> memref<1x128x128xf32, #tpu.memory_space<hbm>>
      %dma_start3A_22 = tpu.memref_squeeze %dma_start3A_21 : memref<1x128x128xf32, #tpu.memory_space<hbm>> -> memref<128x128xf32, #tpu.memory_space<hbm>>
      tpu.enqueue_dma source(%arg7 : memref<128x128xf32, #tpu.memory_space<vmem>>) target(%dma_start3A_22 : memref<128x128xf32, #tpu.memory_space<hbm>>) target_semaphore(%run_scoped3A_16 : memref<!tpu.dma_semaphore, #tpu.memory_space<semaphore_mem>>)
      %dma_wait3A_23 = arith.constant 0 : i32
      %dma_wait3A_24 = tpu.memref_slice %arg5[%run_scoped3A_15, %mul3A_2, %dma_wait3A_23] : memref<2x4096x128xf32, #tpu.memory_space<hbm>> -> memref<1x128x128xf32, #tpu.memory_space<hbm>>
      %dma_wait3A_25 = tpu.memref_squeeze %dma_wait3A_24 : memref<1x128x128xf32, #tpu.memory_space<hbm>> -> memref<128x128xf32, #tpu.memory_space<hbm>>
      %dma_wait3A_26 = arith.constant 0 : i32
      %dma_wait3A_27 = tpu.memref_slice %arg5[%run_scoped3A_15, %mul3A_2, %dma_wait3A_26] : memref<2x4096x128xf32, #tpu.memory_space<hbm>> -> memref<1x128x128xf32, #tpu.memory_space<hbm>>
      %dma_wait3A_28 = tpu.memref_squeeze %dma_wait3A_27 : memref<1x128x128xf32, #tpu.memory_space<hbm>> -> memref<128x128xf32, #tpu.memory_space<hbm>>
      tpu.wait_dma2 semaphore(%run_scoped3A_16 : memref<!tpu.dma_semaphore, #tpu.memory_space<semaphore_mem>>) src(%arg7 : memref<128x128xf32, #tpu.memory_space<vmem>>) dst(%dma_wait3A_28 : memref<128x128xf32, #tpu.memory_space<hbm>>)
      tpu.yield
    }) : () -> ()
    return
  }
}

module attributes {stable_mosaic.version = 14 : i64} {
  func.func @_fused_loss_body(%arg0: memref<8192x128xf32, #tpu.memory_space<vmem>>, %arg1: memref<8192x128xf32, #tpu.memory_space<vmem>>, %arg2: memref<1x1xf32, #tpu.memory_space<vmem>>) attributes {dimension_semantics = [], scalar_prefetch = 0 : i64, scratch_operands = 0 : i64, tpu.core_type = #tpu.core_type<tc>} {
    %get3A = arith.constant 0 : index
    %get3A_0 = arith.constant 0 : index
    %get3A_1 = vector.load %arg0[%get3A, %get3A_0] : memref<8192x128xf32, #tpu.memory_space<vmem>>, vector<8192x128xf32>
    %get3A_2 = arith.constant 0 : index
    %get3A_3 = arith.constant 0 : index
    %get3A_4 = vector.load %arg1[%get3A_2, %get3A_3] : memref<8192x128xf32, #tpu.memory_space<vmem>>, vector<8192x128xf32>
    %mul3A = arith.mulf %get3A_1, %get3A_4 : vector<8192x128xf32>
    %reduce_sum3A = arith.constant dense<0.000000e+00> : vector<8192xf32>
    %reduce_sum3A_5 = vector.multi_reduction <add>, %mul3A, %reduce_sum3A [1] : vector<8192x128xf32> to vector<8192xf32>
    %slice3A = vector.extract_strided_slice %reduce_sum3A_5 {offsets = [0], sizes = [4096], strides = [1]} : vector<8192xf32> to vector<4096xf32>
    %reshape3A = vector.shape_cast %slice3A : vector<4096xf32> to vector<4x1024xf32>
    %slice3A_6 = vector.extract_strided_slice %reduce_sum3A_5 {offsets = [4096], sizes = [4096], strides = [1]} : vector<8192xf32> to vector<4096xf32>
    %reshape3A_7 = vector.shape_cast %slice3A_6 : vector<4096xf32> to vector<4x1024xf32>
    %slice3A_8 = vector.extract_strided_slice %reshape3A {offsets = [0, 0], sizes = [4, 256], strides = [1, 1]} : vector<4x1024xf32> to vector<4x256xf32>
    %broadcast_in_dim3A = vector.shape_cast %slice3A_8 : vector<4x256xf32> to vector<4x256x1xf32>
    %slice3A_9 = vector.extract_strided_slice %reshape3A_7 {offsets = [0, 0], sizes = [4, 256], strides = [1, 1]} : vector<4x1024xf32> to vector<4x256xf32>
    %broadcast_in_dim3A_10 = vector.shape_cast %slice3A_9 : vector<4x256xf32> to vector<4x256x1xf32>
    %slice3A_11 = vector.extract_strided_slice %reshape3A {offsets = [0, 0], sizes = [4, 256], strides = [1, 1]} : vector<4x1024xf32> to vector<4x256xf32>
    %broadcast_in_dim3A_12 = vector.shape_cast %slice3A_11 : vector<4x256xf32> to vector<4x1x256xf32>
    %slice3A_13 = vector.extract_strided_slice %reshape3A_7 {offsets = [0, 0], sizes = [4, 256], strides = [1, 1]} : vector<4x1024xf32> to vector<4x256xf32>
    %broadcast_in_dim3A_14 = vector.shape_cast %slice3A_13 : vector<4x256xf32> to vector<4x1x256xf32>
    %sub3A = vector.broadcast %broadcast_in_dim3A_10 : vector<4x256x1xf32> to vector<4x256x256xf32>
    %sub3A_15 = vector.broadcast %broadcast_in_dim3A_14 : vector<4x1x256xf32> to vector<4x256x256xf32>
    %sub3A_16 = arith.subf %sub3A, %sub3A_15 : vector<4x256x256xf32>
    %sub3A_17 = vector.broadcast %broadcast_in_dim3A : vector<4x256x1xf32> to vector<4x256x256xf32>
    %sub3A_18 = vector.broadcast %broadcast_in_dim3A_12 : vector<4x1x256xf32> to vector<4x256x256xf32>
    %sub3A_19 = arith.subf %sub3A_17, %sub3A_18 : vector<4x256x256xf32>
    %abs3A = math.absf %sub3A_16 : vector<4x256x256xf32>
    %lt3A = arith.constant 2.000000e-02 : f32
    %lt3A_20 = vector.broadcast %lt3A : f32 to vector<4x256x256xf32>
    %lt3A_21 = arith.cmpf olt, %abs3A, %lt3A_20 : vector<4x256x256xf32>
    %gt3A = arith.constant 0.000000e+00 : f32
    %gt3A_22 = vector.broadcast %gt3A : f32 to vector<4x256x256xf32>
    %gt3A_23 = arith.cmpf ogt, %sub3A_16, %gt3A_22 : vector<4x256x256xf32>
    %neg3A = arith.constant 0.000000e+00 : f32
    %neg3A_24 = vector.broadcast %neg3A : f32 to vector<4x256x256xf32>
    %neg3A_25 = arith.subf %neg3A_24, %sub3A_19 : vector<4x256x256xf32>
    %select_n3A = arith.select %gt3A_23, %neg3A_25, %sub3A_19 : vector<4x256x256xi1>, vector<4x256x256xf32>
    %exp3A = math.exp %select_n3A : vector<4x256x256xf32>
    %add3A = arith.constant 1.000000e+00 : f32
    %add3A_26 = vector.broadcast %add3A : f32 to vector<4x256x256xf32>
    %add3A_27 = arith.addf %add3A_26, %exp3A : vector<4x256x256xf32>
    %div3A = arith.constant 1.000000e+00 : f32
    %div3A_28 = vector.broadcast %div3A : f32 to vector<4x256x256xf32>
    %div3A_29 = arith.divf %div3A_28, %add3A_27 : vector<4x256x256xf32>
    %sub3A_30 = arith.constant 1.000000e+00 : f32
    %sub3A_31 = vector.broadcast %sub3A_30 : f32 to vector<4x256x256xf32>
    %sub3A_32 = arith.subf %sub3A_31, %div3A_29 : vector<4x256x256xf32>
    %mul3A_33 = arith.mulf %sub3A_32, %sub3A_32 : vector<4x256x256xf32>
    %log3A = math.log %add3A_27 : vector<4x256x256xf32>
    %mul3A_34 = arith.mulf %mul3A_33, %log3A : vector<4x256x256xf32>
    %jit3A = arith.constant 0.000000e+00 : f32
    %broadcast_in_dim3A_35 = vector.broadcast %jit3A : f32 to vector<4x256x256xf32>
    %select_n3A_36 = arith.select %lt3A_21, %broadcast_in_dim3A_35, %mul3A_34 : vector<4x256x256xi1>, vector<4x256x256xf32>
    %reduce_sum3A_37 = vector.shape_cast %select_n3A_36 : vector<4x256x256xf32> to vector<1x4x256x256xf32>
    %reduce_sum3A_38 = arith.constant dense<0.000000e+00> : vector<1xf32>
    %reduce_sum3A_39 = vector.multi_reduction <add>, %reduce_sum3A_37, %reduce_sum3A_38 [1, 2, 3] : vector<1x4x256x256xf32> to vector<1xf32>
    %reduce_sum3A_40 = vector.shape_cast %reduce_sum3A_39 : vector<1xf32> to vector<1x1x1x1xf32>
    %reduce_sum3A_41 = vector.extract %reduce_sum3A_40[0, 0, 0, 0] : f32 from vector<1x1x1x1xf32>
    %add3A_42 = arith.constant 0.000000e+00 : f32
    %add3A_43 = arith.addf %add3A_42, %reduce_sum3A_41 : f32
    %mul3A_44 = arith.mulf %sub3A_19, %sub3A_19 : vector<4x256x256xf32>
    %jit3A_45 = arith.constant 0.000000e+00 : f32
    %broadcast_in_dim3A_46 = vector.broadcast %jit3A_45 : f32 to vector<4x256x256xf32>
    %select_n3A_47 = arith.select %lt3A_21, %mul3A_44, %broadcast_in_dim3A_46 : vector<4x256x256xi1>, vector<4x256x256xf32>
    %reduce_sum3A_48 = vector.shape_cast %select_n3A_47 : vector<4x256x256xf32> to vector<1x4x256x256xf32>
    %reduce_sum3A_49 = arith.constant dense<0.000000e+00> : vector<1xf32>
    %reduce_sum3A_50 = vector.multi_reduction <add>, %reduce_sum3A_48, %reduce_sum3A_49 [1, 2, 3] : vector<1x4x256x256xf32> to vector<1xf32>
    %reduce_sum3A_51 = vector.shape_cast %reduce_sum3A_50 : vector<1xf32> to vector<1x1x1x1xf32>
    %reduce_sum3A_52 = vector.extract %reduce_sum3A_51[0, 0, 0, 0] : f32 from vector<1x1x1x1xf32>
    %add3A_53 = arith.constant 0.000000e+00 : f32
    %add3A_54 = arith.addf %add3A_53, %reduce_sum3A_52 : f32
    %jit3A_55 = arith.constant 1.000000e+00 : f32
    %jit3A_56 = arith.constant 0.000000e+00 : f32
    %broadcast_in_dim3A_57 = vector.broadcast %jit3A_55 : f32 to vector<4x256x256xf32>
    %broadcast_in_dim3A_58 = vector.broadcast %jit3A_56 : f32 to vector<4x256x256xf32>
    %select_n3A_59 = arith.select %lt3A_21, %broadcast_in_dim3A_57, %broadcast_in_dim3A_58 : vector<4x256x256xi1>, vector<4x256x256xf32>
    %reduce_sum3A_60 = vector.shape_cast %select_n3A_59 : vector<4x256x256xf32> to vector<1x4x256x256xf32>
    %reduce_sum3A_61 = arith.constant dense<0.000000e+00> : vector<1xf32>
    %reduce_sum3A_62 = vector.multi_reduction <add>, %reduce_sum3A_60, %reduce_sum3A_61 [1, 2, 3] : vector<1x4x256x256xf32> to vector<1xf32>
    %reduce_sum3A_63 = vector.shape_cast %reduce_sum3A_62 : vector<1xf32> to vector<1x1x1x1xf32>
    %reduce_sum3A_64 = vector.extract %reduce_sum3A_63[0, 0, 0, 0] : f32 from vector<1x1x1x1xf32>
    %add3A_65 = arith.constant 0.000000e+00 : f32
    %add3A_66 = arith.addf %add3A_65, %reduce_sum3A_64 : f32
    %slice3A_67 = vector.extract_strided_slice %reshape3A {offsets = [0, 256], sizes = [4, 256], strides = [1, 1]} : vector<4x1024xf32> to vector<4x256xf32>
    %broadcast_in_dim3A_68 = vector.shape_cast %slice3A_67 : vector<4x256xf32> to vector<4x256x1xf32>
    %slice3A_69 = vector.extract_strided_slice %reshape3A_7 {offsets = [0, 256], sizes = [4, 256], strides = [1, 1]} : vector<4x1024xf32> to vector<4x256xf32>
    %broadcast_in_dim3A_70 = vector.shape_cast %slice3A_69 : vector<4x256xf32> to vector<4x256x1xf32>
    %slice3A_71 = vector.extract_strided_slice %reshape3A {offsets = [0, 256], sizes = [4, 256], strides = [1, 1]} : vector<4x1024xf32> to vector<4x256xf32>
    %broadcast_in_dim3A_72 = vector.shape_cast %slice3A_71 : vector<4x256xf32> to vector<4x1x256xf32>
    %slice3A_73 = vector.extract_strided_slice %reshape3A_7 {offsets = [0, 256], sizes = [4, 256], strides = [1, 1]} : vector<4x1024xf32> to vector<4x256xf32>
    %broadcast_in_dim3A_74 = vector.shape_cast %slice3A_73 : vector<4x256xf32> to vector<4x1x256xf32>
    %sub3A_75 = vector.broadcast %broadcast_in_dim3A_70 : vector<4x256x1xf32> to vector<4x256x256xf32>
    %sub3A_76 = vector.broadcast %broadcast_in_dim3A_74 : vector<4x1x256xf32> to vector<4x256x256xf32>
    %sub3A_77 = arith.subf %sub3A_75, %sub3A_76 : vector<4x256x256xf32>
    %sub3A_78 = vector.broadcast %broadcast_in_dim3A_68 : vector<4x256x1xf32> to vector<4x256x256xf32>
    %sub3A_79 = vector.broadcast %broadcast_in_dim3A_72 : vector<4x1x256xf32> to vector<4x256x256xf32>
    %sub3A_80 = arith.subf %sub3A_78, %sub3A_79 : vector<4x256x256xf32>
    %abs3A_81 = math.absf %sub3A_77 : vector<4x256x256xf32>
    %lt3A_82 = arith.constant 2.000000e-02 : f32
    %lt3A_83 = vector.broadcast %lt3A_82 : f32 to vector<4x256x256xf32>
    %lt3A_84 = arith.cmpf olt, %abs3A_81, %lt3A_83 : vector<4x256x256xf32>
    %gt3A_85 = arith.constant 0.000000e+00 : f32
    %gt3A_86 = vector.broadcast %gt3A_85 : f32 to vector<4x256x256xf32>
    %gt3A_87 = arith.cmpf ogt, %sub3A_77, %gt3A_86 : vector<4x256x256xf32>
    %neg3A_88 = arith.constant 0.000000e+00 : f32
    %neg3A_89 = vector.broadcast %neg3A_88 : f32 to vector<4x256x256xf32>
    %neg3A_90 = arith.subf %neg3A_89, %sub3A_80 : vector<4x256x256xf32>
    %select_n3A_91 = arith.select %gt3A_87, %neg3A_90, %sub3A_80 : vector<4x256x256xi1>, vector<4x256x256xf32>
    %exp3A_92 = math.exp %select_n3A_91 : vector<4x256x256xf32>
    %add3A_93 = arith.constant 1.000000e+00 : f32
    %add3A_94 = vector.broadcast %add3A_93 : f32 to vector<4x256x256xf32>
    %add3A_95 = arith.addf %add3A_94, %exp3A_92 : vector<4x256x256xf32>
    %div3A_96 = arith.constant 1.000000e+00 : f32
    %div3A_97 = vector.broadcast %div3A_96 : f32 to vector<4x256x256xf32>
    %div3A_98 = arith.divf %div3A_97, %add3A_95 : vector<4x256x256xf32>
    %sub3A_99 = arith.constant 1.000000e+00 : f32
    %sub3A_100 = vector.broadcast %sub3A_99 : f32 to vector<4x256x256xf32>
    %sub3A_101 = arith.subf %sub3A_100, %div3A_98 : vector<4x256x256xf32>
    %mul3A_102 = arith.mulf %sub3A_101, %sub3A_101 : vector<4x256x256xf32>
    %log3A_103 = math.log %add3A_95 : vector<4x256x256xf32>
    %mul3A_104 = arith.mulf %mul3A_102, %log3A_103 : vector<4x256x256xf32>
    %jit3A_105 = arith.constant 0.000000e+00 : f32
    %broadcast_in_dim3A_106 = vector.broadcast %jit3A_105 : f32 to vector<4x256x256xf32>
    %select_n3A_107 = arith.select %lt3A_84, %broadcast_in_dim3A_106, %mul3A_104 : vector<4x256x256xi1>, vector<4x256x256xf32>
    %reduce_sum3A_108 = vector.shape_cast %select_n3A_107 : vector<4x256x256xf32> to vector<1x4x256x256xf32>
    %reduce_sum3A_109 = arith.constant dense<0.000000e+00> : vector<1xf32>
    %reduce_sum3A_110 = vector.multi_reduction <add>, %reduce_sum3A_108, %reduce_sum3A_109 [1, 2, 3] : vector<1x4x256x256xf32> to vector<1xf32>
    %reduce_sum3A_111 = vector.shape_cast %reduce_sum3A_110 : vector<1xf32> to vector<1x1x1x1xf32>
    %reduce_sum3A_112 = vector.extract %reduce_sum3A_111[0, 0, 0, 0] : f32 from vector<1x1x1x1xf32>
    %add3A_113 = arith.addf %add3A_43, %reduce_sum3A_112 : f32
    %mul3A_114 = arith.mulf %sub3A_80, %sub3A_80 : vector<4x256x256xf32>
    %jit3A_115 = arith.constant 0.000000e+00 : f32
    %broadcast_in_dim3A_116 = vector.broadcast %jit3A_115 : f32 to vector<4x256x256xf32>
    %select_n3A_117 = arith.select %lt3A_84, %mul3A_114, %broadcast_in_dim3A_116 : vector<4x256x256xi1>, vector<4x256x256xf32>
    %reduce_sum3A_118 = vector.shape_cast %select_n3A_117 : vector<4x256x256xf32> to vector<1x4x256x256xf32>
    %reduce_sum3A_119 = arith.constant dense<0.000000e+00> : vector<1xf32>
    %reduce_sum3A_120 = vector.multi_reduction <add>, %reduce_sum3A_118, %reduce_sum3A_119 [1, 2, 3] : vector<1x4x256x256xf32> to vector<1xf32>
    %reduce_sum3A_121 = vector.shape_cast %reduce_sum3A_120 : vector<1xf32> to vector<1x1x1x1xf32>
    %reduce_sum3A_122 = vector.extract %reduce_sum3A_121[0, 0, 0, 0] : f32 from vector<1x1x1x1xf32>
    %add3A_123 = arith.addf %add3A_54, %reduce_sum3A_122 : f32
    %jit3A_124 = arith.constant 1.000000e+00 : f32
    %jit3A_125 = arith.constant 0.000000e+00 : f32
    %broadcast_in_dim3A_126 = vector.broadcast %jit3A_124 : f32 to vector<4x256x256xf32>
    %broadcast_in_dim3A_127 = vector.broadcast %jit3A_125 : f32 to vector<4x256x256xf32>
    %select_n3A_128 = arith.select %lt3A_84, %broadcast_in_dim3A_126, %broadcast_in_dim3A_127 : vector<4x256x256xi1>, vector<4x256x256xf32>
    %reduce_sum3A_129 = vector.shape_cast %select_n3A_128 : vector<4x256x256xf32> to vector<1x4x256x256xf32>
    %reduce_sum3A_130 = arith.constant dense<0.000000e+00> : vector<1xf32>
    %reduce_sum3A_131 = vector.multi_reduction <add>, %reduce_sum3A_129, %reduce_sum3A_130 [1, 2, 3] : vector<1x4x256x256xf32> to vector<1xf32>
    %reduce_sum3A_132 = vector.shape_cast %reduce_sum3A_131 : vector<1xf32> to vector<1x1x1x1xf32>
    %reduce_sum3A_133 = vector.extract %reduce_sum3A_132[0, 0, 0, 0] : f32 from vector<1x1x1x1xf32>
    %add3A_134 = arith.addf %add3A_66, %reduce_sum3A_133 : f32
    %slice3A_135 = vector.extract_strided_slice %reshape3A {offsets = [0, 512], sizes = [4, 256], strides = [1, 1]} : vector<4x1024xf32> to vector<4x256xf32>
    %broadcast_in_dim3A_136 = vector.shape_cast %slice3A_135 : vector<4x256xf32> to vector<4x256x1xf32>
    %slice3A_137 = vector.extract_strided_slice %reshape3A_7 {offsets = [0, 512], sizes = [4, 256], strides = [1, 1]} : vector<4x1024xf32> to vector<4x256xf32>
    %broadcast_in_dim3A_138 = vector.shape_cast %slice3A_137 : vector<4x256xf32> to vector<4x256x1xf32>
    %slice3A_139 = vector.extract_strided_slice %reshape3A {offsets = [0, 512], sizes = [4, 256], strides = [1, 1]} : vector<4x1024xf32> to vector<4x256xf32>
    %broadcast_in_dim3A_140 = vector.shape_cast %slice3A_139 : vector<4x256xf32> to vector<4x1x256xf32>
    %slice3A_141 = vector.extract_strided_slice %reshape3A_7 {offsets = [0, 512], sizes = [4, 256], strides = [1, 1]} : vector<4x1024xf32> to vector<4x256xf32>
    %broadcast_in_dim3A_142 = vector.shape_cast %slice3A_141 : vector<4x256xf32> to vector<4x1x256xf32>
    %sub3A_143 = vector.broadcast %broadcast_in_dim3A_138 : vector<4x256x1xf32> to vector<4x256x256xf32>
    %sub3A_144 = vector.broadcast %broadcast_in_dim3A_142 : vector<4x1x256xf32> to vector<4x256x256xf32>
    %sub3A_145 = arith.subf %sub3A_143, %sub3A_144 : vector<4x256x256xf32>
    %sub3A_146 = vector.broadcast %broadcast_in_dim3A_136 : vector<4x256x1xf32> to vector<4x256x256xf32>
    %sub3A_147 = vector.broadcast %broadcast_in_dim3A_140 : vector<4x1x256xf32> to vector<4x256x256xf32>
    %sub3A_148 = arith.subf %sub3A_146, %sub3A_147 : vector<4x256x256xf32>
    %abs3A_149 = math.absf %sub3A_145 : vector<4x256x256xf32>
    %lt3A_150 = arith.constant 2.000000e-02 : f32
    %lt3A_151 = vector.broadcast %lt3A_150 : f32 to vector<4x256x256xf32>
    %lt3A_152 = arith.cmpf olt, %abs3A_149, %lt3A_151 : vector<4x256x256xf32>
    %gt3A_153 = arith.constant 0.000000e+00 : f32
    %gt3A_154 = vector.broadcast %gt3A_153 : f32 to vector<4x256x256xf32>
    %gt3A_155 = arith.cmpf ogt, %sub3A_145, %gt3A_154 : vector<4x256x256xf32>
    %neg3A_156 = arith.constant 0.000000e+00 : f32
    %neg3A_157 = vector.broadcast %neg3A_156 : f32 to vector<4x256x256xf32>
    %neg3A_158 = arith.subf %neg3A_157, %sub3A_148 : vector<4x256x256xf32>
    %select_n3A_159 = arith.select %gt3A_155, %neg3A_158, %sub3A_148 : vector<4x256x256xi1>, vector<4x256x256xf32>
    %exp3A_160 = math.exp %select_n3A_159 : vector<4x256x256xf32>
    %add3A_161 = arith.constant 1.000000e+00 : f32
    %add3A_162 = vector.broadcast %add3A_161 : f32 to vector<4x256x256xf32>
    %add3A_163 = arith.addf %add3A_162, %exp3A_160 : vector<4x256x256xf32>
    %div3A_164 = arith.constant 1.000000e+00 : f32
    %div3A_165 = vector.broadcast %div3A_164 : f32 to vector<4x256x256xf32>
    %div3A_166 = arith.divf %div3A_165, %add3A_163 : vector<4x256x256xf32>
    %sub3A_167 = arith.constant 1.000000e+00 : f32
    %sub3A_168 = vector.broadcast %sub3A_167 : f32 to vector<4x256x256xf32>
    %sub3A_169 = arith.subf %sub3A_168, %div3A_166 : vector<4x256x256xf32>
    %mul3A_170 = arith.mulf %sub3A_169, %sub3A_169 : vector<4x256x256xf32>
    %log3A_171 = math.log %add3A_163 : vector<4x256x256xf32>
    %mul3A_172 = arith.mulf %mul3A_170, %log3A_171 : vector<4x256x256xf32>
    %jit3A_173 = arith.constant 0.000000e+00 : f32
    %broadcast_in_dim3A_174 = vector.broadcast %jit3A_173 : f32 to vector<4x256x256xf32>
    %select_n3A_175 = arith.select %lt3A_152, %broadcast_in_dim3A_174, %mul3A_172 : vector<4x256x256xi1>, vector<4x256x256xf32>
    %reduce_sum3A_176 = vector.shape_cast %select_n3A_175 : vector<4x256x256xf32> to vector<1x4x256x256xf32>
    %reduce_sum3A_177 = arith.constant dense<0.000000e+00> : vector<1xf32>
    %reduce_sum3A_178 = vector.multi_reduction <add>, %reduce_sum3A_176, %reduce_sum3A_177 [1, 2, 3] : vector<1x4x256x256xf32> to vector<1xf32>
    %reduce_sum3A_179 = vector.shape_cast %reduce_sum3A_178 : vector<1xf32> to vector<1x1x1x1xf32>
    %reduce_sum3A_180 = vector.extract %reduce_sum3A_179[0, 0, 0, 0] : f32 from vector<1x1x1x1xf32>
    %add3A_181 = arith.addf %add3A_113, %reduce_sum3A_180 : f32
    %mul3A_182 = arith.mulf %sub3A_148, %sub3A_148 : vector<4x256x256xf32>
    %jit3A_183 = arith.constant 0.000000e+00 : f32
    %broadcast_in_dim3A_184 = vector.broadcast %jit3A_183 : f32 to vector<4x256x256xf32>
    %select_n3A_185 = arith.select %lt3A_152, %mul3A_182, %broadcast_in_dim3A_184 : vector<4x256x256xi1>, vector<4x256x256xf32>
    %reduce_sum3A_186 = vector.shape_cast %select_n3A_185 : vector<4x256x256xf32> to vector<1x4x256x256xf32>
    %reduce_sum3A_187 = arith.constant dense<0.000000e+00> : vector<1xf32>
    %reduce_sum3A_188 = vector.multi_reduction <add>, %reduce_sum3A_186, %reduce_sum3A_187 [1, 2, 3] : vector<1x4x256x256xf32> to vector<1xf32>
    %reduce_sum3A_189 = vector.shape_cast %reduce_sum3A_188 : vector<1xf32> to vector<1x1x1x1xf32>
    %reduce_sum3A_190 = vector.extract %reduce_sum3A_189[0, 0, 0, 0] : f32 from vector<1x1x1x1xf32>
    %add3A_191 = arith.addf %add3A_123, %reduce_sum3A_190 : f32
    %jit3A_192 = arith.constant 1.000000e+00 : f32
    %jit3A_193 = arith.constant 0.000000e+00 : f32
    %broadcast_in_dim3A_194 = vector.broadcast %jit3A_192 : f32 to vector<4x256x256xf32>
    %broadcast_in_dim3A_195 = vector.broadcast %jit3A_193 : f32 to vector<4x256x256xf32>
    %select_n3A_196 = arith.select %lt3A_152, %broadcast_in_dim3A_194, %broadcast_in_dim3A_195 : vector<4x256x256xi1>, vector<4x256x256xf32>
    %reduce_sum3A_197 = vector.shape_cast %select_n3A_196 : vector<4x256x256xf32> to vector<1x4x256x256xf32>
    %reduce_sum3A_198 = arith.constant dense<0.000000e+00> : vector<1xf32>
    %reduce_sum3A_199 = vector.multi_reduction <add>, %reduce_sum3A_197, %reduce_sum3A_198 [1, 2, 3] : vector<1x4x256x256xf32> to vector<1xf32>
    %reduce_sum3A_200 = vector.shape_cast %reduce_sum3A_199 : vector<1xf32> to vector<1x1x1x1xf32>
    %reduce_sum3A_201 = vector.extract %reduce_sum3A_200[0, 0, 0, 0] : f32 from vector<1x1x1x1xf32>
    %add3A_202 = arith.addf %add3A_134, %reduce_sum3A_201 : f32
    %slice3A_203 = vector.extract_strided_slice %reshape3A {offsets = [0, 768], sizes = [4, 256], strides = [1, 1]} : vector<4x1024xf32> to vector<4x256xf32>
    %broadcast_in_dim3A_204 = vector.shape_cast %slice3A_203 : vector<4x256xf32> to vector<4x256x1xf32>
    %slice3A_205 = vector.extract_strided_slice %reshape3A_7 {offsets = [0, 768], sizes = [4, 256], strides = [1, 1]} : vector<4x1024xf32> to vector<4x256xf32>
    %broadcast_in_dim3A_206 = vector.shape_cast %slice3A_205 : vector<4x256xf32> to vector<4x256x1xf32>
    %slice3A_207 = vector.extract_strided_slice %reshape3A {offsets = [0, 768], sizes = [4, 256], strides = [1, 1]} : vector<4x1024xf32> to vector<4x256xf32>
    %broadcast_in_dim3A_208 = vector.shape_cast %slice3A_207 : vector<4x256xf32> to vector<4x1x256xf32>
    %slice3A_209 = vector.extract_strided_slice %reshape3A_7 {offsets = [0, 768], sizes = [4, 256], strides = [1, 1]} : vector<4x1024xf32> to vector<4x256xf32>
    %broadcast_in_dim3A_210 = vector.shape_cast %slice3A_209 : vector<4x256xf32> to vector<4x1x256xf32>
    %sub3A_211 = vector.broadcast %broadcast_in_dim3A_206 : vector<4x256x1xf32> to vector<4x256x256xf32>
    %sub3A_212 = vector.broadcast %broadcast_in_dim3A_210 : vector<4x1x256xf32> to vector<4x256x256xf32>
    %sub3A_213 = arith.subf %sub3A_211, %sub3A_212 : vector<4x256x256xf32>
    %sub3A_214 = vector.broadcast %broadcast_in_dim3A_204 : vector<4x256x1xf32> to vector<4x256x256xf32>
    %sub3A_215 = vector.broadcast %broadcast_in_dim3A_208 : vector<4x1x256xf32> to vector<4x256x256xf32>
    %sub3A_216 = arith.subf %sub3A_214, %sub3A_215 : vector<4x256x256xf32>
    %abs3A_217 = math.absf %sub3A_213 : vector<4x256x256xf32>
    %lt3A_218 = arith.constant 2.000000e-02 : f32
    %lt3A_219 = vector.broadcast %lt3A_218 : f32 to vector<4x256x256xf32>
    %lt3A_220 = arith.cmpf olt, %abs3A_217, %lt3A_219 : vector<4x256x256xf32>
    %gt3A_221 = arith.constant 0.000000e+00 : f32
    %gt3A_222 = vector.broadcast %gt3A_221 : f32 to vector<4x256x256xf32>
    %gt3A_223 = arith.cmpf ogt, %sub3A_213, %gt3A_222 : vector<4x256x256xf32>
    %neg3A_224 = arith.constant 0.000000e+00 : f32
    %neg3A_225 = vector.broadcast %neg3A_224 : f32 to vector<4x256x256xf32>
    %neg3A_226 = arith.subf %neg3A_225, %sub3A_216 : vector<4x256x256xf32>
    %select_n3A_227 = arith.select %gt3A_223, %neg3A_226, %sub3A_216 : vector<4x256x256xi1>, vector<4x256x256xf32>
    %exp3A_228 = math.exp %select_n3A_227 : vector<4x256x256xf32>
    %add3A_229 = arith.constant 1.000000e+00 : f32
    %add3A_230 = vector.broadcast %add3A_229 : f32 to vector<4x256x256xf32>
    %add3A_231 = arith.addf %add3A_230, %exp3A_228 : vector<4x256x256xf32>
    %div3A_232 = arith.constant 1.000000e+00 : f32
    %div3A_233 = vector.broadcast %div3A_232 : f32 to vector<4x256x256xf32>
    %div3A_234 = arith.divf %div3A_233, %add3A_231 : vector<4x256x256xf32>
    %sub3A_235 = arith.constant 1.000000e+00 : f32
    %sub3A_236 = vector.broadcast %sub3A_235 : f32 to vector<4x256x256xf32>
    %sub3A_237 = arith.subf %sub3A_236, %div3A_234 : vector<4x256x256xf32>
    %mul3A_238 = arith.mulf %sub3A_237, %sub3A_237 : vector<4x256x256xf32>
    %log3A_239 = math.log %add3A_231 : vector<4x256x256xf32>
    %mul3A_240 = arith.mulf %mul3A_238, %log3A_239 : vector<4x256x256xf32>
    %jit3A_241 = arith.constant 0.000000e+00 : f32
    %broadcast_in_dim3A_242 = vector.broadcast %jit3A_241 : f32 to vector<4x256x256xf32>
    %select_n3A_243 = arith.select %lt3A_220, %broadcast_in_dim3A_242, %mul3A_240 : vector<4x256x256xi1>, vector<4x256x256xf32>
    %reduce_sum3A_244 = vector.shape_cast %select_n3A_243 : vector<4x256x256xf32> to vector<1x4x256x256xf32>
    %reduce_sum3A_245 = arith.constant dense<0.000000e+00> : vector<1xf32>
    %reduce_sum3A_246 = vector.multi_reduction <add>, %reduce_sum3A_244, %reduce_sum3A_245 [1, 2, 3] : vector<1x4x256x256xf32> to vector<1xf32>
    %reduce_sum3A_247 = vector.shape_cast %reduce_sum3A_246 : vector<1xf32> to vector<1x1x1x1xf32>
    %reduce_sum3A_248 = vector.extract %reduce_sum3A_247[0, 0, 0, 0] : f32 from vector<1x1x1x1xf32>
    %add3A_249 = arith.addf %add3A_181, %reduce_sum3A_248 : f32
    %mul3A_250 = arith.mulf %sub3A_216, %sub3A_216 : vector<4x256x256xf32>
    %jit3A_251 = arith.constant 0.000000e+00 : f32
    %broadcast_in_dim3A_252 = vector.broadcast %jit3A_251 : f32 to vector<4x256x256xf32>
    %select_n3A_253 = arith.select %lt3A_220, %mul3A_250, %broadcast_in_dim3A_252 : vector<4x256x256xi1>, vector<4x256x256xf32>
    %reduce_sum3A_254 = vector.shape_cast %select_n3A_253 : vector<4x256x256xf32> to vector<1x4x256x256xf32>
    %reduce_sum3A_255 = arith.constant dense<0.000000e+00> : vector<1xf32>
    %reduce_sum3A_256 = vector.multi_reduction <add>, %reduce_sum3A_254, %reduce_sum3A_255 [1, 2, 3] : vector<1x4x256x256xf32> to vector<1xf32>
    %reduce_sum3A_257 = vector.shape_cast %reduce_sum3A_256 : vector<1xf32> to vector<1x1x1x1xf32>
    %reduce_sum3A_258 = vector.extract %reduce_sum3A_257[0, 0, 0, 0] : f32 from vector<1x1x1x1xf32>
    %add3A_259 = arith.addf %add3A_191, %reduce_sum3A_258 : f32
    %jit3A_260 = arith.constant 1.000000e+00 : f32
    %jit3A_261 = arith.constant 0.000000e+00 : f32
    %broadcast_in_dim3A_262 = vector.broadcast %jit3A_260 : f32 to vector<4x256x256xf32>
    %broadcast_in_dim3A_263 = vector.broadcast %jit3A_261 : f32 to vector<4x256x256xf32>
    %select_n3A_264 = arith.select %lt3A_220, %broadcast_in_dim3A_262, %broadcast_in_dim3A_263 : vector<4x256x256xi1>, vector<4x256x256xf32>
    %reduce_sum3A_265 = vector.shape_cast %select_n3A_264 : vector<4x256x256xf32> to vector<1x4x256x256xf32>
    %reduce_sum3A_266 = arith.constant dense<0.000000e+00> : vector<1xf32>
    %reduce_sum3A_267 = vector.multi_reduction <add>, %reduce_sum3A_265, %reduce_sum3A_266 [1, 2, 3] : vector<1x4x256x256xf32> to vector<1xf32>
    %reduce_sum3A_268 = vector.shape_cast %reduce_sum3A_267 : vector<1xf32> to vector<1x1x1x1xf32>
    %reduce_sum3A_269 = vector.extract %reduce_sum3A_268[0, 0, 0, 0] : f32 from vector<1x1x1x1xf32>
    %add3A_270 = arith.addf %add3A_202, %reduce_sum3A_269 : f32
    %slice3A_271 = vector.extract_strided_slice %reshape3A {offsets = [0, 0], sizes = [4, 256], strides = [1, 1]} : vector<4x1024xf32> to vector<4x256xf32>
    %broadcast_in_dim3A_272 = vector.shape_cast %slice3A_271 : vector<4x256xf32> to vector<4x256x1xf32>
    %slice3A_273 = vector.extract_strided_slice %reshape3A_7 {offsets = [0, 0], sizes = [4, 256], strides = [1, 1]} : vector<4x1024xf32> to vector<4x256xf32>
    %broadcast_in_dim3A_274 = vector.shape_cast %slice3A_273 : vector<4x256xf32> to vector<4x256x1xf32>
    %slice3A_275 = vector.extract_strided_slice %reshape3A {offsets = [0, 256], sizes = [4, 256], strides = [1, 1]} : vector<4x1024xf32> to vector<4x256xf32>
    %broadcast_in_dim3A_276 = vector.shape_cast %slice3A_275 : vector<4x256xf32> to vector<4x1x256xf32>
    %slice3A_277 = vector.extract_strided_slice %reshape3A_7 {offsets = [0, 256], sizes = [4, 256], strides = [1, 1]} : vector<4x1024xf32> to vector<4x256xf32>
    %broadcast_in_dim3A_278 = vector.shape_cast %slice3A_277 : vector<4x256xf32> to vector<4x1x256xf32>
    %sub3A_279 = vector.broadcast %broadcast_in_dim3A_274 : vector<4x256x1xf32> to vector<4x256x256xf32>
    %sub3A_280 = vector.broadcast %broadcast_in_dim3A_278 : vector<4x1x256xf32> to vector<4x256x256xf32>
    %sub3A_281 = arith.subf %sub3A_279, %sub3A_280 : vector<4x256x256xf32>
    %sub3A_282 = vector.broadcast %broadcast_in_dim3A_272 : vector<4x256x1xf32> to vector<4x256x256xf32>
    %sub3A_283 = vector.broadcast %broadcast_in_dim3A_276 : vector<4x1x256xf32> to vector<4x256x256xf32>
    %sub3A_284 = arith.subf %sub3A_282, %sub3A_283 : vector<4x256x256xf32>
    %abs3A_285 = math.absf %sub3A_281 : vector<4x256x256xf32>
    %lt3A_286 = arith.constant 2.000000e-02 : f32
    %lt3A_287 = vector.broadcast %lt3A_286 : f32 to vector<4x256x256xf32>
    %lt3A_288 = arith.cmpf olt, %abs3A_285, %lt3A_287 : vector<4x256x256xf32>
    %gt3A_289 = arith.constant 0.000000e+00 : f32
    %gt3A_290 = vector.broadcast %gt3A_289 : f32 to vector<4x256x256xf32>
    %gt3A_291 = arith.cmpf ogt, %sub3A_281, %gt3A_290 : vector<4x256x256xf32>
    %neg3A_292 = arith.constant 0.000000e+00 : f32
    %neg3A_293 = vector.broadcast %neg3A_292 : f32 to vector<4x256x256xf32>
    %neg3A_294 = arith.subf %neg3A_293, %sub3A_284 : vector<4x256x256xf32>
    %select_n3A_295 = arith.select %gt3A_291, %neg3A_294, %sub3A_284 : vector<4x256x256xi1>, vector<4x256x256xf32>
    %exp3A_296 = math.exp %select_n3A_295 : vector<4x256x256xf32>
    %add3A_297 = arith.constant 1.000000e+00 : f32
    %add3A_298 = vector.broadcast %add3A_297 : f32 to vector<4x256x256xf32>
    %add3A_299 = arith.addf %add3A_298, %exp3A_296 : vector<4x256x256xf32>
    %div3A_300 = arith.constant 1.000000e+00 : f32
    %div3A_301 = vector.broadcast %div3A_300 : f32 to vector<4x256x256xf32>
    %div3A_302 = arith.divf %div3A_301, %add3A_299 : vector<4x256x256xf32>
    %sub3A_303 = arith.constant 1.000000e+00 : f32
    %sub3A_304 = vector.broadcast %sub3A_303 : f32 to vector<4x256x256xf32>
    %sub3A_305 = arith.subf %sub3A_304, %div3A_302 : vector<4x256x256xf32>
    %mul3A_306 = arith.mulf %sub3A_305, %sub3A_305 : vector<4x256x256xf32>
    %log3A_307 = math.log %add3A_299 : vector<4x256x256xf32>
    %mul3A_308 = arith.mulf %mul3A_306, %log3A_307 : vector<4x256x256xf32>
    %jit3A_309 = arith.constant 0.000000e+00 : f32
    %broadcast_in_dim3A_310 = vector.broadcast %jit3A_309 : f32 to vector<4x256x256xf32>
    %select_n3A_311 = arith.select %lt3A_288, %broadcast_in_dim3A_310, %mul3A_308 : vector<4x256x256xi1>, vector<4x256x256xf32>
    %reduce_sum3A_312 = vector.shape_cast %select_n3A_311 : vector<4x256x256xf32> to vector<1x4x256x256xf32>
    %reduce_sum3A_313 = arith.constant dense<0.000000e+00> : vector<1xf32>
    %reduce_sum3A_314 = vector.multi_reduction <add>, %reduce_sum3A_312, %reduce_sum3A_313 [1, 2, 3] : vector<1x4x256x256xf32> to vector<1xf32>
    %reduce_sum3A_315 = vector.shape_cast %reduce_sum3A_314 : vector<1xf32> to vector<1x1x1x1xf32>
    %reduce_sum3A_316 = vector.extract %reduce_sum3A_315[0, 0, 0, 0] : f32 from vector<1x1x1x1xf32>
    %add3A_317 = arith.constant 0.000000e+00 : f32
    %add3A_318 = arith.addf %add3A_317, %reduce_sum3A_316 : f32
    %mul3A_319 = arith.mulf %sub3A_284, %sub3A_284 : vector<4x256x256xf32>
    %jit3A_320 = arith.constant 0.000000e+00 : f32
    %broadcast_in_dim3A_321 = vector.broadcast %jit3A_320 : f32 to vector<4x256x256xf32>
    %select_n3A_322 = arith.select %lt3A_288, %mul3A_319, %broadcast_in_dim3A_321 : vector<4x256x256xi1>, vector<4x256x256xf32>
    %reduce_sum3A_323 = vector.shape_cast %select_n3A_322 : vector<4x256x256xf32> to vector<1x4x256x256xf32>
    %reduce_sum3A_324 = arith.constant dense<0.000000e+00> : vector<1xf32>
    %reduce_sum3A_325 = vector.multi_reduction <add>, %reduce_sum3A_323, %reduce_sum3A_324 [1, 2, 3] : vector<1x4x256x256xf32> to vector<1xf32>
    %reduce_sum3A_326 = vector.shape_cast %reduce_sum3A_325 : vector<1xf32> to vector<1x1x1x1xf32>
    %reduce_sum3A_327 = vector.extract %reduce_sum3A_326[0, 0, 0, 0] : f32 from vector<1x1x1x1xf32>
    %add3A_328 = arith.constant 0.000000e+00 : f32
    %add3A_329 = arith.addf %add3A_328, %reduce_sum3A_327 : f32
    %jit3A_330 = arith.constant 1.000000e+00 : f32
    %jit3A_331 = arith.constant 0.000000e+00 : f32
    %broadcast_in_dim3A_332 = vector.broadcast %jit3A_330 : f32 to vector<4x256x256xf32>
    %broadcast_in_dim3A_333 = vector.broadcast %jit3A_331 : f32 to vector<4x256x256xf32>
    %select_n3A_334 = arith.select %lt3A_288, %broadcast_in_dim3A_332, %broadcast_in_dim3A_333 : vector<4x256x256xi1>, vector<4x256x256xf32>
    %reduce_sum3A_335 = vector.shape_cast %select_n3A_334 : vector<4x256x256xf32> to vector<1x4x256x256xf32>
    %reduce_sum3A_336 = arith.constant dense<0.000000e+00> : vector<1xf32>
    %reduce_sum3A_337 = vector.multi_reduction <add>, %reduce_sum3A_335, %reduce_sum3A_336 [1, 2, 3] : vector<1x4x256x256xf32> to vector<1xf32>
    %reduce_sum3A_338 = vector.shape_cast %reduce_sum3A_337 : vector<1xf32> to vector<1x1x1x1xf32>
    %reduce_sum3A_339 = vector.extract %reduce_sum3A_338[0, 0, 0, 0] : f32 from vector<1x1x1x1xf32>
    %add3A_340 = arith.constant 0.000000e+00 : f32
    %add3A_341 = arith.addf %add3A_340, %reduce_sum3A_339 : f32
    %slice3A_342 = vector.extract_strided_slice %reshape3A {offsets = [0, 0], sizes = [4, 256], strides = [1, 1]} : vector<4x1024xf32> to vector<4x256xf32>
    %broadcast_in_dim3A_343 = vector.shape_cast %slice3A_342 : vector<4x256xf32> to vector<4x256x1xf32>
    %slice3A_344 = vector.extract_strided_slice %reshape3A_7 {offsets = [0, 0], sizes = [4, 256], strides = [1, 1]} : vector<4x1024xf32> to vector<4x256xf32>
    %broadcast_in_dim3A_345 = vector.shape_cast %slice3A_344 : vector<4x256xf32> to vector<4x256x1xf32>
    %slice3A_346 = vector.extract_strided_slice %reshape3A {offsets = [0, 512], sizes = [4, 256], strides = [1, 1]} : vector<4x1024xf32> to vector<4x256xf32>
    %broadcast_in_dim3A_347 = vector.shape_cast %slice3A_346 : vector<4x256xf32> to vector<4x1x256xf32>
    %slice3A_348 = vector.extract_strided_slice %reshape3A_7 {offsets = [0, 512], sizes = [4, 256], strides = [1, 1]} : vector<4x1024xf32> to vector<4x256xf32>
    %broadcast_in_dim3A_349 = vector.shape_cast %slice3A_348 : vector<4x256xf32> to vector<4x1x256xf32>
    %sub3A_350 = vector.broadcast %broadcast_in_dim3A_345 : vector<4x256x1xf32> to vector<4x256x256xf32>
    %sub3A_351 = vector.broadcast %broadcast_in_dim3A_349 : vector<4x1x256xf32> to vector<4x256x256xf32>
    %sub3A_352 = arith.subf %sub3A_350, %sub3A_351 : vector<4x256x256xf32>
    %sub3A_353 = vector.broadcast %broadcast_in_dim3A_343 : vector<4x256x1xf32> to vector<4x256x256xf32>
    %sub3A_354 = vector.broadcast %broadcast_in_dim3A_347 : vector<4x1x256xf32> to vector<4x256x256xf32>
    %sub3A_355 = arith.subf %sub3A_353, %sub3A_354 : vector<4x256x256xf32>
    %abs3A_356 = math.absf %sub3A_352 : vector<4x256x256xf32>
    %lt3A_357 = arith.constant 2.000000e-02 : f32
    %lt3A_358 = vector.broadcast %lt3A_357 : f32 to vector<4x256x256xf32>
    %lt3A_359 = arith.cmpf olt, %abs3A_356, %lt3A_358 : vector<4x256x256xf32>
    %gt3A_360 = arith.constant 0.000000e+00 : f32
    %gt3A_361 = vector.broadcast %gt3A_360 : f32 to vector<4x256x256xf32>
    %gt3A_362 = arith.cmpf ogt, %sub3A_352, %gt3A_361 : vector<4x256x256xf32>
    %neg3A_363 = arith.constant 0.000000e+00 : f32
    %neg3A_364 = vector.broadcast %neg3A_363 : f32 to vector<4x256x256xf32>
    %neg3A_365 = arith.subf %neg3A_364, %sub3A_355 : vector<4x256x256xf32>
    %select_n3A_366 = arith.select %gt3A_362, %neg3A_365, %sub3A_355 : vector<4x256x256xi1>, vector<4x256x256xf32>
    %exp3A_367 = math.exp %select_n3A_366 : vector<4x256x256xf32>
    %add3A_368 = arith.constant 1.000000e+00 : f32
    %add3A_369 = vector.broadcast %add3A_368 : f32 to vector<4x256x256xf32>
    %add3A_370 = arith.addf %add3A_369, %exp3A_367 : vector<4x256x256xf32>
    %div3A_371 = arith.constant 1.000000e+00 : f32
    %div3A_372 = vector.broadcast %div3A_371 : f32 to vector<4x256x256xf32>
    %div3A_373 = arith.divf %div3A_372, %add3A_370 : vector<4x256x256xf32>
    %sub3A_374 = arith.constant 1.000000e+00 : f32
    %sub3A_375 = vector.broadcast %sub3A_374 : f32 to vector<4x256x256xf32>
    %sub3A_376 = arith.subf %sub3A_375, %div3A_373 : vector<4x256x256xf32>
    %mul3A_377 = arith.mulf %sub3A_376, %sub3A_376 : vector<4x256x256xf32>
    %log3A_378 = math.log %add3A_370 : vector<4x256x256xf32>
    %mul3A_379 = arith.mulf %mul3A_377, %log3A_378 : vector<4x256x256xf32>
    %jit3A_380 = arith.constant 0.000000e+00 : f32
    %broadcast_in_dim3A_381 = vector.broadcast %jit3A_380 : f32 to vector<4x256x256xf32>
    %select_n3A_382 = arith.select %lt3A_359, %broadcast_in_dim3A_381, %mul3A_379 : vector<4x256x256xi1>, vector<4x256x256xf32>
    %reduce_sum3A_383 = vector.shape_cast %select_n3A_382 : vector<4x256x256xf32> to vector<1x4x256x256xf32>
    %reduce_sum3A_384 = arith.constant dense<0.000000e+00> : vector<1xf32>
    %reduce_sum3A_385 = vector.multi_reduction <add>, %reduce_sum3A_383, %reduce_sum3A_384 [1, 2, 3] : vector<1x4x256x256xf32> to vector<1xf32>
    %reduce_sum3A_386 = vector.shape_cast %reduce_sum3A_385 : vector<1xf32> to vector<1x1x1x1xf32>
    %reduce_sum3A_387 = vector.extract %reduce_sum3A_386[0, 0, 0, 0] : f32 from vector<1x1x1x1xf32>
    %add3A_388 = arith.addf %add3A_318, %reduce_sum3A_387 : f32
    %mul3A_389 = arith.mulf %sub3A_355, %sub3A_355 : vector<4x256x256xf32>
    %jit3A_390 = arith.constant 0.000000e+00 : f32
    %broadcast_in_dim3A_391 = vector.broadcast %jit3A_390 : f32 to vector<4x256x256xf32>
    %select_n3A_392 = arith.select %lt3A_359, %mul3A_389, %broadcast_in_dim3A_391 : vector<4x256x256xi1>, vector<4x256x256xf32>
    %reduce_sum3A_393 = vector.shape_cast %select_n3A_392 : vector<4x256x256xf32> to vector<1x4x256x256xf32>
    %reduce_sum3A_394 = arith.constant dense<0.000000e+00> : vector<1xf32>
    %reduce_sum3A_395 = vector.multi_reduction <add>, %reduce_sum3A_393, %reduce_sum3A_394 [1, 2, 3] : vector<1x4x256x256xf32> to vector<1xf32>
    %reduce_sum3A_396 = vector.shape_cast %reduce_sum3A_395 : vector<1xf32> to vector<1x1x1x1xf32>
    %reduce_sum3A_397 = vector.extract %reduce_sum3A_396[0, 0, 0, 0] : f32 from vector<1x1x1x1xf32>
    %add3A_398 = arith.addf %add3A_329, %reduce_sum3A_397 : f32
    %jit3A_399 = arith.constant 1.000000e+00 : f32
    %jit3A_400 = arith.constant 0.000000e+00 : f32
    %broadcast_in_dim3A_401 = vector.broadcast %jit3A_399 : f32 to vector<4x256x256xf32>
    %broadcast_in_dim3A_402 = vector.broadcast %jit3A_400 : f32 to vector<4x256x256xf32>
    %select_n3A_403 = arith.select %lt3A_359, %broadcast_in_dim3A_401, %broadcast_in_dim3A_402 : vector<4x256x256xi1>, vector<4x256x256xf32>
    %reduce_sum3A_404 = vector.shape_cast %select_n3A_403 : vector<4x256x256xf32> to vector<1x4x256x256xf32>
    %reduce_sum3A_405 = arith.constant dense<0.000000e+00> : vector<1xf32>
    %reduce_sum3A_406 = vector.multi_reduction <add>, %reduce_sum3A_404, %reduce_sum3A_405 [1, 2, 3] : vector<1x4x256x256xf32> to vector<1xf32>
    %reduce_sum3A_407 = vector.shape_cast %reduce_sum3A_406 : vector<1xf32> to vector<1x1x1x1xf32>
    %reduce_sum3A_408 = vector.extract %reduce_sum3A_407[0, 0, 0, 0] : f32 from vector<1x1x1x1xf32>
    %add3A_409 = arith.addf %add3A_341, %reduce_sum3A_408 : f32
    %slice3A_410 = vector.extract_strided_slice %reshape3A {offsets = [0, 0], sizes = [4, 256], strides = [1, 1]} : vector<4x1024xf32> to vector<4x256xf32>
    %broadcast_in_dim3A_411 = vector.shape_cast %slice3A_410 : vector<4x256xf32> to vector<4x256x1xf32>
    %slice3A_412 = vector.extract_strided_slice %reshape3A_7 {offsets = [0, 0], sizes = [4, 256], strides = [1, 1]} : vector<4x1024xf32> to vector<4x256xf32>
    %broadcast_in_dim3A_413 = vector.shape_cast %slice3A_412 : vector<4x256xf32> to vector<4x256x1xf32>
    %slice3A_414 = vector.extract_strided_slice %reshape3A {offsets = [0, 768], sizes = [4, 256], strides = [1, 1]} : vector<4x1024xf32> to vector<4x256xf32>
    %broadcast_in_dim3A_415 = vector.shape_cast %slice3A_414 : vector<4x256xf32> to vector<4x1x256xf32>
    %slice3A_416 = vector.extract_strided_slice %reshape3A_7 {offsets = [0, 768], sizes = [4, 256], strides = [1, 1]} : vector<4x1024xf32> to vector<4x256xf32>
    %broadcast_in_dim3A_417 = vector.shape_cast %slice3A_416 : vector<4x256xf32> to vector<4x1x256xf32>
    %sub3A_418 = vector.broadcast %broadcast_in_dim3A_413 : vector<4x256x1xf32> to vector<4x256x256xf32>
    %sub3A_419 = vector.broadcast %broadcast_in_dim3A_417 : vector<4x1x256xf32> to vector<4x256x256xf32>
    %sub3A_420 = arith.subf %sub3A_418, %sub3A_419 : vector<4x256x256xf32>
    %sub3A_421 = vector.broadcast %broadcast_in_dim3A_411 : vector<4x256x1xf32> to vector<4x256x256xf32>
    %sub3A_422 = vector.broadcast %broadcast_in_dim3A_415 : vector<4x1x256xf32> to vector<4x256x256xf32>
    %sub3A_423 = arith.subf %sub3A_421, %sub3A_422 : vector<4x256x256xf32>
    %abs3A_424 = math.absf %sub3A_420 : vector<4x256x256xf32>
    %lt3A_425 = arith.constant 2.000000e-02 : f32
    %lt3A_426 = vector.broadcast %lt3A_425 : f32 to vector<4x256x256xf32>
    %lt3A_427 = arith.cmpf olt, %abs3A_424, %lt3A_426 : vector<4x256x256xf32>
    %gt3A_428 = arith.constant 0.000000e+00 : f32
    %gt3A_429 = vector.broadcast %gt3A_428 : f32 to vector<4x256x256xf32>
    %gt3A_430 = arith.cmpf ogt, %sub3A_420, %gt3A_429 : vector<4x256x256xf32>
    %neg3A_431 = arith.constant 0.000000e+00 : f32
    %neg3A_432 = vector.broadcast %neg3A_431 : f32 to vector<4x256x256xf32>
    %neg3A_433 = arith.subf %neg3A_432, %sub3A_423 : vector<4x256x256xf32>
    %select_n3A_434 = arith.select %gt3A_430, %neg3A_433, %sub3A_423 : vector<4x256x256xi1>, vector<4x256x256xf32>
    %exp3A_435 = math.exp %select_n3A_434 : vector<4x256x256xf32>
    %add3A_436 = arith.constant 1.000000e+00 : f32
    %add3A_437 = vector.broadcast %add3A_436 : f32 to vector<4x256x256xf32>
    %add3A_438 = arith.addf %add3A_437, %exp3A_435 : vector<4x256x256xf32>
    %div3A_439 = arith.constant 1.000000e+00 : f32
    %div3A_440 = vector.broadcast %div3A_439 : f32 to vector<4x256x256xf32>
    %div3A_441 = arith.divf %div3A_440, %add3A_438 : vector<4x256x256xf32>
    %sub3A_442 = arith.constant 1.000000e+00 : f32
    %sub3A_443 = vector.broadcast %sub3A_442 : f32 to vector<4x256x256xf32>
    %sub3A_444 = arith.subf %sub3A_443, %div3A_441 : vector<4x256x256xf32>
    %mul3A_445 = arith.mulf %sub3A_444, %sub3A_444 : vector<4x256x256xf32>
    %log3A_446 = math.log %add3A_438 : vector<4x256x256xf32>
    %mul3A_447 = arith.mulf %mul3A_445, %log3A_446 : vector<4x256x256xf32>
    %jit3A_448 = arith.constant 0.000000e+00 : f32
    %broadcast_in_dim3A_449 = vector.broadcast %jit3A_448 : f32 to vector<4x256x256xf32>
    %select_n3A_450 = arith.select %lt3A_427, %broadcast_in_dim3A_449, %mul3A_447 : vector<4x256x256xi1>, vector<4x256x256xf32>
    %reduce_sum3A_451 = vector.shape_cast %select_n3A_450 : vector<4x256x256xf32> to vector<1x4x256x256xf32>
    %reduce_sum3A_452 = arith.constant dense<0.000000e+00> : vector<1xf32>
    %reduce_sum3A_453 = vector.multi_reduction <add>, %reduce_sum3A_451, %reduce_sum3A_452 [1, 2, 3] : vector<1x4x256x256xf32> to vector<1xf32>
    %reduce_sum3A_454 = vector.shape_cast %reduce_sum3A_453 : vector<1xf32> to vector<1x1x1x1xf32>
    %reduce_sum3A_455 = vector.extract %reduce_sum3A_454[0, 0, 0, 0] : f32 from vector<1x1x1x1xf32>
    %add3A_456 = arith.addf %add3A_388, %reduce_sum3A_455 : f32
    %mul3A_457 = arith.mulf %sub3A_423, %sub3A_423 : vector<4x256x256xf32>
    %jit3A_458 = arith.constant 0.000000e+00 : f32
    %broadcast_in_dim3A_459 = vector.broadcast %jit3A_458 : f32 to vector<4x256x256xf32>
    %select_n3A_460 = arith.select %lt3A_427, %mul3A_457, %broadcast_in_dim3A_459 : vector<4x256x256xi1>, vector<4x256x256xf32>
    %reduce_sum3A_461 = vector.shape_cast %select_n3A_460 : vector<4x256x256xf32> to vector<1x4x256x256xf32>
    %reduce_sum3A_462 = arith.constant dense<0.000000e+00> : vector<1xf32>
    %reduce_sum3A_463 = vector.multi_reduction <add>, %reduce_sum3A_461, %reduce_sum3A_462 [1, 2, 3] : vector<1x4x256x256xf32> to vector<1xf32>
    %reduce_sum3A_464 = vector.shape_cast %reduce_sum3A_463 : vector<1xf32> to vector<1x1x1x1xf32>
    %reduce_sum3A_465 = vector.extract %reduce_sum3A_464[0, 0, 0, 0] : f32 from vector<1x1x1x1xf32>
    %add3A_466 = arith.addf %add3A_398, %reduce_sum3A_465 : f32
    %jit3A_467 = arith.constant 1.000000e+00 : f32
    %jit3A_468 = arith.constant 0.000000e+00 : f32
    %broadcast_in_dim3A_469 = vector.broadcast %jit3A_467 : f32 to vector<4x256x256xf32>
    %broadcast_in_dim3A_470 = vector.broadcast %jit3A_468 : f32 to vector<4x256x256xf32>
    %select_n3A_471 = arith.select %lt3A_427, %broadcast_in_dim3A_469, %broadcast_in_dim3A_470 : vector<4x256x256xi1>, vector<4x256x256xf32>
    %reduce_sum3A_472 = vector.shape_cast %select_n3A_471 : vector<4x256x256xf32> to vector<1x4x256x256xf32>
    %reduce_sum3A_473 = arith.constant dense<0.000000e+00> : vector<1xf32>
    %reduce_sum3A_474 = vector.multi_reduction <add>, %reduce_sum3A_472, %reduce_sum3A_473 [1, 2, 3] : vector<1x4x256x256xf32> to vector<1xf32>
    %reduce_sum3A_475 = vector.shape_cast %reduce_sum3A_474 : vector<1xf32> to vector<1x1x1x1xf32>
    %reduce_sum3A_476 = vector.extract %reduce_sum3A_475[0, 0, 0, 0] : f32 from vector<1x1x1x1xf32>
    %add3A_477 = arith.addf %add3A_409, %reduce_sum3A_476 : f32
    %slice3A_478 = vector.extract_strided_slice %reshape3A {offsets = [0, 256], sizes = [4, 256], strides = [1, 1]} : vector<4x1024xf32> to vector<4x256xf32>
    %broadcast_in_dim3A_479 = vector.shape_cast %slice3A_478 : vector<4x256xf32> to vector<4x256x1xf32>
    %slice3A_480 = vector.extract_strided_slice %reshape3A_7 {offsets = [0, 256], sizes = [4, 256], strides = [1, 1]} : vector<4x1024xf32> to vector<4x256xf32>
    %broadcast_in_dim3A_481 = vector.shape_cast %slice3A_480 : vector<4x256xf32> to vector<4x256x1xf32>
    %slice3A_482 = vector.extract_strided_slice %reshape3A {offsets = [0, 512], sizes = [4, 256], strides = [1, 1]} : vector<4x1024xf32> to vector<4x256xf32>
    %broadcast_in_dim3A_483 = vector.shape_cast %slice3A_482 : vector<4x256xf32> to vector<4x1x256xf32>
    %slice3A_484 = vector.extract_strided_slice %reshape3A_7 {offsets = [0, 512], sizes = [4, 256], strides = [1, 1]} : vector<4x1024xf32> to vector<4x256xf32>
    %broadcast_in_dim3A_485 = vector.shape_cast %slice3A_484 : vector<4x256xf32> to vector<4x1x256xf32>
    %sub3A_486 = vector.broadcast %broadcast_in_dim3A_481 : vector<4x256x1xf32> to vector<4x256x256xf32>
    %sub3A_487 = vector.broadcast %broadcast_in_dim3A_485 : vector<4x1x256xf32> to vector<4x256x256xf32>
    %sub3A_488 = arith.subf %sub3A_486, %sub3A_487 : vector<4x256x256xf32>
    %sub3A_489 = vector.broadcast %broadcast_in_dim3A_479 : vector<4x256x1xf32> to vector<4x256x256xf32>
    %sub3A_490 = vector.broadcast %broadcast_in_dim3A_483 : vector<4x1x256xf32> to vector<4x256x256xf32>
    %sub3A_491 = arith.subf %sub3A_489, %sub3A_490 : vector<4x256x256xf32>
    %abs3A_492 = math.absf %sub3A_488 : vector<4x256x256xf32>
    %lt3A_493 = arith.constant 2.000000e-02 : f32
    %lt3A_494 = vector.broadcast %lt3A_493 : f32 to vector<4x256x256xf32>
    %lt3A_495 = arith.cmpf olt, %abs3A_492, %lt3A_494 : vector<4x256x256xf32>
    %gt3A_496 = arith.constant 0.000000e+00 : f32
    %gt3A_497 = vector.broadcast %gt3A_496 : f32 to vector<4x256x256xf32>
    %gt3A_498 = arith.cmpf ogt, %sub3A_488, %gt3A_497 : vector<4x256x256xf32>
    %neg3A_499 = arith.constant 0.000000e+00 : f32
    %neg3A_500 = vector.broadcast %neg3A_499 : f32 to vector<4x256x256xf32>
    %neg3A_501 = arith.subf %neg3A_500, %sub3A_491 : vector<4x256x256xf32>
    %select_n3A_502 = arith.select %gt3A_498, %neg3A_501, %sub3A_491 : vector<4x256x256xi1>, vector<4x256x256xf32>
    %exp3A_503 = math.exp %select_n3A_502 : vector<4x256x256xf32>
    %add3A_504 = arith.constant 1.000000e+00 : f32
    %add3A_505 = vector.broadcast %add3A_504 : f32 to vector<4x256x256xf32>
    %add3A_506 = arith.addf %add3A_505, %exp3A_503 : vector<4x256x256xf32>
    %div3A_507 = arith.constant 1.000000e+00 : f32
    %div3A_508 = vector.broadcast %div3A_507 : f32 to vector<4x256x256xf32>
    %div3A_509 = arith.divf %div3A_508, %add3A_506 : vector<4x256x256xf32>
    %sub3A_510 = arith.constant 1.000000e+00 : f32
    %sub3A_511 = vector.broadcast %sub3A_510 : f32 to vector<4x256x256xf32>
    %sub3A_512 = arith.subf %sub3A_511, %div3A_509 : vector<4x256x256xf32>
    %mul3A_513 = arith.mulf %sub3A_512, %sub3A_512 : vector<4x256x256xf32>
    %log3A_514 = math.log %add3A_506 : vector<4x256x256xf32>
    %mul3A_515 = arith.mulf %mul3A_513, %log3A_514 : vector<4x256x256xf32>
    %jit3A_516 = arith.constant 0.000000e+00 : f32
    %broadcast_in_dim3A_517 = vector.broadcast %jit3A_516 : f32 to vector<4x256x256xf32>
    %select_n3A_518 = arith.select %lt3A_495, %broadcast_in_dim3A_517, %mul3A_515 : vector<4x256x256xi1>, vector<4x256x256xf32>
    %reduce_sum3A_519 = vector.shape_cast %select_n3A_518 : vector<4x256x256xf32> to vector<1x4x256x256xf32>
    %reduce_sum3A_520 = arith.constant dense<0.000000e+00> : vector<1xf32>
    %reduce_sum3A_521 = vector.multi_reduction <add>, %reduce_sum3A_519, %reduce_sum3A_520 [1, 2, 3] : vector<1x4x256x256xf32> to vector<1xf32>
    %reduce_sum3A_522 = vector.shape_cast %reduce_sum3A_521 : vector<1xf32> to vector<1x1x1x1xf32>
    %reduce_sum3A_523 = vector.extract %reduce_sum3A_522[0, 0, 0, 0] : f32 from vector<1x1x1x1xf32>
    %add3A_524 = arith.addf %add3A_456, %reduce_sum3A_523 : f32
    %mul3A_525 = arith.mulf %sub3A_491, %sub3A_491 : vector<4x256x256xf32>
    %jit3A_526 = arith.constant 0.000000e+00 : f32
    %broadcast_in_dim3A_527 = vector.broadcast %jit3A_526 : f32 to vector<4x256x256xf32>
    %select_n3A_528 = arith.select %lt3A_495, %mul3A_525, %broadcast_in_dim3A_527 : vector<4x256x256xi1>, vector<4x256x256xf32>
    %reduce_sum3A_529 = vector.shape_cast %select_n3A_528 : vector<4x256x256xf32> to vector<1x4x256x256xf32>
    %reduce_sum3A_530 = arith.constant dense<0.000000e+00> : vector<1xf32>
    %reduce_sum3A_531 = vector.multi_reduction <add>, %reduce_sum3A_529, %reduce_sum3A_530 [1, 2, 3] : vector<1x4x256x256xf32> to vector<1xf32>
    %reduce_sum3A_532 = vector.shape_cast %reduce_sum3A_531 : vector<1xf32> to vector<1x1x1x1xf32>
    %reduce_sum3A_533 = vector.extract %reduce_sum3A_532[0, 0, 0, 0] : f32 from vector<1x1x1x1xf32>
    %add3A_534 = arith.addf %add3A_466, %reduce_sum3A_533 : f32
    %jit3A_535 = arith.constant 1.000000e+00 : f32
    %jit3A_536 = arith.constant 0.000000e+00 : f32
    %broadcast_in_dim3A_537 = vector.broadcast %jit3A_535 : f32 to vector<4x256x256xf32>
    %broadcast_in_dim3A_538 = vector.broadcast %jit3A_536 : f32 to vector<4x256x256xf32>
    %select_n3A_539 = arith.select %lt3A_495, %broadcast_in_dim3A_537, %broadcast_in_dim3A_538 : vector<4x256x256xi1>, vector<4x256x256xf32>
    %reduce_sum3A_540 = vector.shape_cast %select_n3A_539 : vector<4x256x256xf32> to vector<1x4x256x256xf32>
    %reduce_sum3A_541 = arith.constant dense<0.000000e+00> : vector<1xf32>
    %reduce_sum3A_542 = vector.multi_reduction <add>, %reduce_sum3A_540, %reduce_sum3A_541 [1, 2, 3] : vector<1x4x256x256xf32> to vector<1xf32>
    %reduce_sum3A_543 = vector.shape_cast %reduce_sum3A_542 : vector<1xf32> to vector<1x1x1x1xf32>
    %reduce_sum3A_544 = vector.extract %reduce_sum3A_543[0, 0, 0, 0] : f32 from vector<1x1x1x1xf32>
    %add3A_545 = arith.addf %add3A_477, %reduce_sum3A_544 : f32
    %slice3A_546 = vector.extract_strided_slice %reshape3A {offsets = [0, 256], sizes = [4, 256], strides = [1, 1]} : vector<4x1024xf32> to vector<4x256xf32>
    %broadcast_in_dim3A_547 = vector.shape_cast %slice3A_546 : vector<4x256xf32> to vector<4x256x1xf32>
    %slice3A_548 = vector.extract_strided_slice %reshape3A_7 {offsets = [0, 256], sizes = [4, 256], strides = [1, 1]} : vector<4x1024xf32> to vector<4x256xf32>
    %broadcast_in_dim3A_549 = vector.shape_cast %slice3A_548 : vector<4x256xf32> to vector<4x256x1xf32>
    %slice3A_550 = vector.extract_strided_slice %reshape3A {offsets = [0, 768], sizes = [4, 256], strides = [1, 1]} : vector<4x1024xf32> to vector<4x256xf32>
    %broadcast_in_dim3A_551 = vector.shape_cast %slice3A_550 : vector<4x256xf32> to vector<4x1x256xf32>
    %slice3A_552 = vector.extract_strided_slice %reshape3A_7 {offsets = [0, 768], sizes = [4, 256], strides = [1, 1]} : vector<4x1024xf32> to vector<4x256xf32>
    %broadcast_in_dim3A_553 = vector.shape_cast %slice3A_552 : vector<4x256xf32> to vector<4x1x256xf32>
    %sub3A_554 = vector.broadcast %broadcast_in_dim3A_549 : vector<4x256x1xf32> to vector<4x256x256xf32>
    %sub3A_555 = vector.broadcast %broadcast_in_dim3A_553 : vector<4x1x256xf32> to vector<4x256x256xf32>
    %sub3A_556 = arith.subf %sub3A_554, %sub3A_555 : vector<4x256x256xf32>
    %sub3A_557 = vector.broadcast %broadcast_in_dim3A_547 : vector<4x256x1xf32> to vector<4x256x256xf32>
    %sub3A_558 = vector.broadcast %broadcast_in_dim3A_551 : vector<4x1x256xf32> to vector<4x256x256xf32>
    %sub3A_559 = arith.subf %sub3A_557, %sub3A_558 : vector<4x256x256xf32>
    %abs3A_560 = math.absf %sub3A_556 : vector<4x256x256xf32>
    %lt3A_561 = arith.constant 2.000000e-02 : f32
    %lt3A_562 = vector.broadcast %lt3A_561 : f32 to vector<4x256x256xf32>
    %lt3A_563 = arith.cmpf olt, %abs3A_560, %lt3A_562 : vector<4x256x256xf32>
    %gt3A_564 = arith.constant 0.000000e+00 : f32
    %gt3A_565 = vector.broadcast %gt3A_564 : f32 to vector<4x256x256xf32>
    %gt3A_566 = arith.cmpf ogt, %sub3A_556, %gt3A_565 : vector<4x256x256xf32>
    %neg3A_567 = arith.constant 0.000000e+00 : f32
    %neg3A_568 = vector.broadcast %neg3A_567 : f32 to vector<4x256x256xf32>
    %neg3A_569 = arith.subf %neg3A_568, %sub3A_559 : vector<4x256x256xf32>
    %select_n3A_570 = arith.select %gt3A_566, %neg3A_569, %sub3A_559 : vector<4x256x256xi1>, vector<4x256x256xf32>
    %exp3A_571 = math.exp %select_n3A_570 : vector<4x256x256xf32>
    %add3A_572 = arith.constant 1.000000e+00 : f32
    %add3A_573 = vector.broadcast %add3A_572 : f32 to vector<4x256x256xf32>
    %add3A_574 = arith.addf %add3A_573, %exp3A_571 : vector<4x256x256xf32>
    %div3A_575 = arith.constant 1.000000e+00 : f32
    %div3A_576 = vector.broadcast %div3A_575 : f32 to vector<4x256x256xf32>
    %div3A_577 = arith.divf %div3A_576, %add3A_574 : vector<4x256x256xf32>
    %sub3A_578 = arith.constant 1.000000e+00 : f32
    %sub3A_579 = vector.broadcast %sub3A_578 : f32 to vector<4x256x256xf32>
    %sub3A_580 = arith.subf %sub3A_579, %div3A_577 : vector<4x256x256xf32>
    %mul3A_581 = arith.mulf %sub3A_580, %sub3A_580 : vector<4x256x256xf32>
    %log3A_582 = math.log %add3A_574 : vector<4x256x256xf32>
    %mul3A_583 = arith.mulf %mul3A_581, %log3A_582 : vector<4x256x256xf32>
    %jit3A_584 = arith.constant 0.000000e+00 : f32
    %broadcast_in_dim3A_585 = vector.broadcast %jit3A_584 : f32 to vector<4x256x256xf32>
    %select_n3A_586 = arith.select %lt3A_563, %broadcast_in_dim3A_585, %mul3A_583 : vector<4x256x256xi1>, vector<4x256x256xf32>
    %reduce_sum3A_587 = vector.shape_cast %select_n3A_586 : vector<4x256x256xf32> to vector<1x4x256x256xf32>
    %reduce_sum3A_588 = arith.constant dense<0.000000e+00> : vector<1xf32>
    %reduce_sum3A_589 = vector.multi_reduction <add>, %reduce_sum3A_587, %reduce_sum3A_588 [1, 2, 3] : vector<1x4x256x256xf32> to vector<1xf32>
    %reduce_sum3A_590 = vector.shape_cast %reduce_sum3A_589 : vector<1xf32> to vector<1x1x1x1xf32>
    %reduce_sum3A_591 = vector.extract %reduce_sum3A_590[0, 0, 0, 0] : f32 from vector<1x1x1x1xf32>
    %add3A_592 = arith.addf %add3A_524, %reduce_sum3A_591 : f32
    %mul3A_593 = arith.mulf %sub3A_559, %sub3A_559 : vector<4x256x256xf32>
    %jit3A_594 = arith.constant 0.000000e+00 : f32
    %broadcast_in_dim3A_595 = vector.broadcast %jit3A_594 : f32 to vector<4x256x256xf32>
    %select_n3A_596 = arith.select %lt3A_563, %mul3A_593, %broadcast_in_dim3A_595 : vector<4x256x256xi1>, vector<4x256x256xf32>
    %reduce_sum3A_597 = vector.shape_cast %select_n3A_596 : vector<4x256x256xf32> to vector<1x4x256x256xf32>
    %reduce_sum3A_598 = arith.constant dense<0.000000e+00> : vector<1xf32>
    %reduce_sum3A_599 = vector.multi_reduction <add>, %reduce_sum3A_597, %reduce_sum3A_598 [1, 2, 3] : vector<1x4x256x256xf32> to vector<1xf32>
    %reduce_sum3A_600 = vector.shape_cast %reduce_sum3A_599 : vector<1xf32> to vector<1x1x1x1xf32>
    %reduce_sum3A_601 = vector.extract %reduce_sum3A_600[0, 0, 0, 0] : f32 from vector<1x1x1x1xf32>
    %add3A_602 = arith.addf %add3A_534, %reduce_sum3A_601 : f32
    %jit3A_603 = arith.constant 1.000000e+00 : f32
    %jit3A_604 = arith.constant 0.000000e+00 : f32
    %broadcast_in_dim3A_605 = vector.broadcast %jit3A_603 : f32 to vector<4x256x256xf32>
    %broadcast_in_dim3A_606 = vector.broadcast %jit3A_604 : f32 to vector<4x256x256xf32>
    %select_n3A_607 = arith.select %lt3A_563, %broadcast_in_dim3A_605, %broadcast_in_dim3A_606 : vector<4x256x256xi1>, vector<4x256x256xf32>
    %reduce_sum3A_608 = vector.shape_cast %select_n3A_607 : vector<4x256x256xf32> to vector<1x4x256x256xf32>
    %reduce_sum3A_609 = arith.constant dense<0.000000e+00> : vector<1xf32>
    %reduce_sum3A_610 = vector.multi_reduction <add>, %reduce_sum3A_608, %reduce_sum3A_609 [1, 2, 3] : vector<1x4x256x256xf32> to vector<1xf32>
    %reduce_sum3A_611 = vector.shape_cast %reduce_sum3A_610 : vector<1xf32> to vector<1x1x1x1xf32>
    %reduce_sum3A_612 = vector.extract %reduce_sum3A_611[0, 0, 0, 0] : f32 from vector<1x1x1x1xf32>
    %add3A_613 = arith.addf %add3A_545, %reduce_sum3A_612 : f32
    %slice3A_614 = vector.extract_strided_slice %reshape3A {offsets = [0, 512], sizes = [4, 256], strides = [1, 1]} : vector<4x1024xf32> to vector<4x256xf32>
    %broadcast_in_dim3A_615 = vector.shape_cast %slice3A_614 : vector<4x256xf32> to vector<4x256x1xf32>
    %slice3A_616 = vector.extract_strided_slice %reshape3A_7 {offsets = [0, 512], sizes = [4, 256], strides = [1, 1]} : vector<4x1024xf32> to vector<4x256xf32>
    %broadcast_in_dim3A_617 = vector.shape_cast %slice3A_616 : vector<4x256xf32> to vector<4x256x1xf32>
    %slice3A_618 = vector.extract_strided_slice %reshape3A {offsets = [0, 768], sizes = [4, 256], strides = [1, 1]} : vector<4x1024xf32> to vector<4x256xf32>
    %broadcast_in_dim3A_619 = vector.shape_cast %slice3A_618 : vector<4x256xf32> to vector<4x1x256xf32>
    %slice3A_620 = vector.extract_strided_slice %reshape3A_7 {offsets = [0, 768], sizes = [4, 256], strides = [1, 1]} : vector<4x1024xf32> to vector<4x256xf32>
    %broadcast_in_dim3A_621 = vector.shape_cast %slice3A_620 : vector<4x256xf32> to vector<4x1x256xf32>
    %sub3A_622 = vector.broadcast %broadcast_in_dim3A_617 : vector<4x256x1xf32> to vector<4x256x256xf32>
    %sub3A_623 = vector.broadcast %broadcast_in_dim3A_621 : vector<4x1x256xf32> to vector<4x256x256xf32>
    %sub3A_624 = arith.subf %sub3A_622, %sub3A_623 : vector<4x256x256xf32>
    %sub3A_625 = vector.broadcast %broadcast_in_dim3A_615 : vector<4x256x1xf32> to vector<4x256x256xf32>
    %sub3A_626 = vector.broadcast %broadcast_in_dim3A_619 : vector<4x1x256xf32> to vector<4x256x256xf32>
    %sub3A_627 = arith.subf %sub3A_625, %sub3A_626 : vector<4x256x256xf32>
    %abs3A_628 = math.absf %sub3A_624 : vector<4x256x256xf32>
    %lt3A_629 = arith.constant 2.000000e-02 : f32
    %lt3A_630 = vector.broadcast %lt3A_629 : f32 to vector<4x256x256xf32>
    %lt3A_631 = arith.cmpf olt, %abs3A_628, %lt3A_630 : vector<4x256x256xf32>
    %gt3A_632 = arith.constant 0.000000e+00 : f32
    %gt3A_633 = vector.broadcast %gt3A_632 : f32 to vector<4x256x256xf32>
    %gt3A_634 = arith.cmpf ogt, %sub3A_624, %gt3A_633 : vector<4x256x256xf32>
    %neg3A_635 = arith.constant 0.000000e+00 : f32
    %neg3A_636 = vector.broadcast %neg3A_635 : f32 to vector<4x256x256xf32>
    %neg3A_637 = arith.subf %neg3A_636, %sub3A_627 : vector<4x256x256xf32>
    %select_n3A_638 = arith.select %gt3A_634, %neg3A_637, %sub3A_627 : vector<4x256x256xi1>, vector<4x256x256xf32>
    %exp3A_639 = math.exp %select_n3A_638 : vector<4x256x256xf32>
    %add3A_640 = arith.constant 1.000000e+00 : f32
    %add3A_641 = vector.broadcast %add3A_640 : f32 to vector<4x256x256xf32>
    %add3A_642 = arith.addf %add3A_641, %exp3A_639 : vector<4x256x256xf32>
    %div3A_643 = arith.constant 1.000000e+00 : f32
    %div3A_644 = vector.broadcast %div3A_643 : f32 to vector<4x256x256xf32>
    %div3A_645 = arith.divf %div3A_644, %add3A_642 : vector<4x256x256xf32>
    %sub3A_646 = arith.constant 1.000000e+00 : f32
    %sub3A_647 = vector.broadcast %sub3A_646 : f32 to vector<4x256x256xf32>
    %sub3A_648 = arith.subf %sub3A_647, %div3A_645 : vector<4x256x256xf32>
    %mul3A_649 = arith.mulf %sub3A_648, %sub3A_648 : vector<4x256x256xf32>
    %log3A_650 = math.log %add3A_642 : vector<4x256x256xf32>
    %mul3A_651 = arith.mulf %mul3A_649, %log3A_650 : vector<4x256x256xf32>
    %jit3A_652 = arith.constant 0.000000e+00 : f32
    %broadcast_in_dim3A_653 = vector.broadcast %jit3A_652 : f32 to vector<4x256x256xf32>
    %select_n3A_654 = arith.select %lt3A_631, %broadcast_in_dim3A_653, %mul3A_651 : vector<4x256x256xi1>, vector<4x256x256xf32>
    %reduce_sum3A_655 = vector.shape_cast %select_n3A_654 : vector<4x256x256xf32> to vector<1x4x256x256xf32>
    %reduce_sum3A_656 = arith.constant dense<0.000000e+00> : vector<1xf32>
    %reduce_sum3A_657 = vector.multi_reduction <add>, %reduce_sum3A_655, %reduce_sum3A_656 [1, 2, 3] : vector<1x4x256x256xf32> to vector<1xf32>
    %reduce_sum3A_658 = vector.shape_cast %reduce_sum3A_657 : vector<1xf32> to vector<1x1x1x1xf32>
    %reduce_sum3A_659 = vector.extract %reduce_sum3A_658[0, 0, 0, 0] : f32 from vector<1x1x1x1xf32>
    %add3A_660 = arith.addf %add3A_592, %reduce_sum3A_659 : f32
    %mul3A_661 = arith.mulf %sub3A_627, %sub3A_627 : vector<4x256x256xf32>
    %jit3A_662 = arith.constant 0.000000e+00 : f32
    %broadcast_in_dim3A_663 = vector.broadcast %jit3A_662 : f32 to vector<4x256x256xf32>
    %select_n3A_664 = arith.select %lt3A_631, %mul3A_661, %broadcast_in_dim3A_663 : vector<4x256x256xi1>, vector<4x256x256xf32>
    %reduce_sum3A_665 = vector.shape_cast %select_n3A_664 : vector<4x256x256xf32> to vector<1x4x256x256xf32>
    %reduce_sum3A_666 = arith.constant dense<0.000000e+00> : vector<1xf32>
    %reduce_sum3A_667 = vector.multi_reduction <add>, %reduce_sum3A_665, %reduce_sum3A_666 [1, 2, 3] : vector<1x4x256x256xf32> to vector<1xf32>
    %reduce_sum3A_668 = vector.shape_cast %reduce_sum3A_667 : vector<1xf32> to vector<1x1x1x1xf32>
    %reduce_sum3A_669 = vector.extract %reduce_sum3A_668[0, 0, 0, 0] : f32 from vector<1x1x1x1xf32>
    %add3A_670 = arith.addf %add3A_602, %reduce_sum3A_669 : f32
    %jit3A_671 = arith.constant 1.000000e+00 : f32
    %jit3A_672 = arith.constant 0.000000e+00 : f32
    %broadcast_in_dim3A_673 = vector.broadcast %jit3A_671 : f32 to vector<4x256x256xf32>
    %broadcast_in_dim3A_674 = vector.broadcast %jit3A_672 : f32 to vector<4x256x256xf32>
    %select_n3A_675 = arith.select %lt3A_631, %broadcast_in_dim3A_673, %broadcast_in_dim3A_674 : vector<4x256x256xi1>, vector<4x256x256xf32>
    %reduce_sum3A_676 = vector.shape_cast %select_n3A_675 : vector<4x256x256xf32> to vector<1x4x256x256xf32>
    %reduce_sum3A_677 = arith.constant dense<0.000000e+00> : vector<1xf32>
    %reduce_sum3A_678 = vector.multi_reduction <add>, %reduce_sum3A_676, %reduce_sum3A_677 [1, 2, 3] : vector<1x4x256x256xf32> to vector<1xf32>
    %reduce_sum3A_679 = vector.shape_cast %reduce_sum3A_678 : vector<1xf32> to vector<1x1x1x1xf32>
    %reduce_sum3A_680 = vector.extract %reduce_sum3A_679[0, 0, 0, 0] : f32 from vector<1x1x1x1xf32>
    %add3A_681 = arith.addf %add3A_613, %reduce_sum3A_680 : f32
    %mul3A_682 = arith.constant 5.000000e-01 : f32
    %mul3A_683 = arith.mulf %mul3A_682, %add3A_249 : f32
    %add3A_684 = arith.addf %add3A_660, %mul3A_683 : f32
    %mul3A_685 = arith.constant 5.000000e-01 : f32
    %mul3A_686 = arith.mulf %mul3A_685, %add3A_259 : f32
    %add3A_687 = arith.addf %add3A_670, %mul3A_686 : f32
    %sub3A_688 = arith.constant 4.096000e+03 : f32
    %sub3A_689 = arith.subf %add3A_270, %sub3A_688 : f32
    %mul3A_690 = arith.constant 5.000000e-01 : f32
    %mul3A_691 = arith.mulf %mul3A_690, %sub3A_689 : f32
    %add3A_692 = arith.addf %add3A_681, %mul3A_691 : f32
    %sub3A_693 = arith.constant 0x49C00000 : f32
    %sub3A_694 = arith.subf %sub3A_693, %add3A_681 : f32
    %sub3A_695 = arith.constant 0x49800000 : f32
    %sub3A_696 = arith.subf %sub3A_695, %add3A_270 : f32
    %mul3A_697 = arith.constant 5.000000e-01 : f32
    %mul3A_698 = arith.mulf %mul3A_697, %sub3A_696 : f32
    %add3A_699 = arith.addf %sub3A_694, %mul3A_698 : f32
    %max3A = arith.constant 1.000000e+00 : f32
    %max3A_700 = arith.maximumf %add3A_699, %max3A : f32
    %div3A_701 = arith.divf %add3A_684, %max3A_700 : f32
    %max3A_702 = arith.constant 1.000000e+00 : f32
    %max3A_703 = arith.maximumf %add3A_692, %max3A_702 : f32
    %div3A_704 = arith.divf %add3A_687, %max3A_703 : f32
    %add3A_705 = arith.addf %div3A_701, %div3A_704 : f32
    %reshape3A_706 = vector.broadcast %add3A_705 : f32 to vector<1x1xf32>
    %swap3A = arith.constant 0 : index
    %swap3A_707 = arith.constant 0 : index
    %swap3A_708 = vector.load %arg2[%swap3A, %swap3A_707] : memref<1x1xf32, #tpu.memory_space<vmem>>, vector<1x1xf32>
    tpu.vector_store %arg2[%swap3A, %swap3A_707], %reshape3A_706 {strides = array<i32>} : memref<1x1xf32, #tpu.memory_space<vmem>>, vector<1x1xf32>,
    return
  }
}

</mosaic_0001>

<sc_bundles>
// kernel: kernel.4.cloned.1.call-start
scs
__scs_entry_jumppad:
0x0: {  	(pc) =	sbr.rel $0x88, $3  }
0x1: {  	(tag) =	ssettag $0x0;
	lr =	simm.s32 $0x1  }
0x2: {  	[smem:$0x3F9F] =	sst lr;
	_ =	strace $0xD0000000  }
0x3: {  	_ = 	snop  }
0x4: {  	_ = 	snop  }
0x5: {  	_ = 	snop  }
0x6: {  	_ = 	snop  }
0x7: {  	_ = 	snop  }
__scs_overlays_trampoline_lowered:
0x8: {  	[smem:$0x3FAE] =	sst s0  }
0x9: {  	[smem:$0x3FAF] =	sst s1  }
0xa: {  	[smem:$0x3FB0] =	sst s2  }
0xb: {  	[smem:$0x3FB1] =	sst s3  }
0xc: {  	[smem:$0x3FB2] =	sst s4  }
0xd: {  	[smem:$0x3FB3] =	sst s5  }
0xe: {  	[smem:$0x3FB4] =	sst s6  }
0xf: {  	[smem:$0x3FB5] =	sst s7  }
0x10: {  	[smem:$0x3FB6] =	sst s8  }
0x11: {  	[smem:$0x3FB7] =	sst s9;
	s0 =	simm.s32 @!p0 $0x0  }
0x12: {  	s1 =	sld [smem:$0x3F9D];
	s0 =	simm.s32 @p0 $0x1  }
0x13: {  	[smem:$0x3FB8] =	sst s0;
	s0 =	simm.s32 @!p1 $0x0  }
0x14: {  	s2 =	sld [smem:$0x3F9C];
	s0 =	simm.s32 @p1 $0x1  }
0x15: {  	[smem:$0x3FB9] =	sst s0;
	s0 =	simm.s32 @!p2 $0x0  }
0x16: {  	s3 =	sld [smem:$0x3FDB];
	s0 =	simm.s32 @p2 $0x1  }
0x17: {  	s4 =	simm.s32 $0x1BF5;
	[smem:$0x3FBB] =	sst s0  }
0x18: {  	s0 =	sld [smem:$0x3F9E];
	_ =	swait.ge [sflag:s4], $0x0  }
0x19: {  	s7 =	sld [smem:$0x3F9F]  }
0x1a: {  	s8 =	sadd.s32 $0xFFFFE003, lr  }
0x1b: {  	s9 =	sadd.s32 $0xFFFFFEF7, lr;
	s5 =	simm.s32 $0xFFFFFFFF;
	p2 =	slt.u32 s8, $0xFFFFF086  }
0x1c: {  	p1 =	slt.u32 s9, $0xF7A;
	s5 =	simm.s32 @!p2 $0x0  }
0x1d: {  	s5 =	simm.s32 @p1 $0x1;
	p0 =	seq.s32 s7, s2  }
0x1e: {  	s7 =	smul.u32 @!p0 $0xF7A, s2;
	p2 =	seq.s32 @!p0 s5, $0x0  }
0x1f: {  	s9 =	smul.u32 $0xF7A, s1;
	s8 =	simm.s32 @!p0 $0x1BF5;
	p2 =	por !p2, p0  }
0x20: {  	[sflag:s8] =	ssyncset.s32 @!p0 $0xFFFFF086;
	s6 =	sadd.s32 @!p0 s3, s7;
	s7 =	simm.s32 @!p0 $0x108  }
0x21: {  	s3 =	sadd.s32 s3, s9;
	s6 =	sadd.s32 @!p0 $0x88, s6;
	s7 =	simm.s32 @p2 $0x1082  }
0x22: {  	[simem:s7], [sflag:s8] =	dma.local @!p0 [hbm:s6], $0xF7A  }
0x23: {  	s9 =	sor.u32 $0xD0000000, s2;
	s6 =	simm.s32 $0x108;
	_ =	swait.ge @!p0 [sflag:s8], $0x0  }
0x24: {  	s3 =	sadd.s32 $0x88, s3;
	s6 =	simm.s32 @!p1 $0x1082;
	[sflag:s4] =	ssyncset.s32 $0xFFFFF086  }
0x25: {  	[simem:s6], [sflag:s4] =	dma.local [hbm:s3], $0xF7A  }
0x26: {  	[smem:$0x3F9F] =	sst s1;
	(tag) =	ssettag s2;
	_ =	strace s9  }
0x27: {  	s1 =	sld [smem:$0x3FAF]  }
0x28: {  	s2 =	sld [smem:$0x3FB0]  }
0x29: {  	s4 =	sld [smem:$0x3FB2]  }
0x2a: {  	p0 =	seq.s32 s5, $0x0;
	s5 =	sld [smem:$0x3FB3]  }
0x2b: {  	s6 =	sld [smem:$0x3FB4]  }
0x2c: {  	s7 =	sld [smem:$0x3FB5]  }
0x2d: {  	s3 =	simm.s32 $0x108;
	s8 =	sld [smem:$0x3FB6]  }
0x2e: {  	s3 =	simm.s32 @!p0 $0x1082;
	s9 =	sld [smem:$0x3FB7]  }
0x2f: {  	lr =	sadd.s32 s0, s3;
	s0 =	sld [smem:$0x3FAE]  }
0x30: {  	s3 =	sld [smem:$0x3FB1]  }
0x31: {  	[smem:$0x3FBA] =	sst s10  }
0x32: {  	s10 =	sld [smem:$0x3FB8];
	_ =	sdelay $0x3  }
0x33: {  	p0 =	seq.s32 s10, $0x1;
	s10 =	sld [smem:$0x3FBA];
	_ =	sdelay $0x3  }
0x34: {  	[smem:$0x3FBA] =	sst s10  }
0x35: {  	s10 =	sld [smem:$0x3FB9];
	_ =	sdelay $0x3  }
0x36: {  	p1 =	seq.s32 s10, $0x1;
	s10 =	sld [smem:$0x3FBA];
	_ =	sdelay $0x3  }
0x37: {  	[smem:$0x3FBA] =	sst s10  }
0x38: {  	s10 =	sld [smem:$0x3FBB]  }
0x39: {  	_ = 	snop;
	(pc) =	sbr.ind lr, $3  }
0x3a: {  	_ = 	snop  }
0x3b: {  	_ = 	snop  }
0x3c: {  	p2 =	seq.s32 s10, $0x1;
	s10 =	sld [smem:$0x3FBA]  }
0x3d: {  	_ =	shalt  }
0x3e: {  	_ =	shalt  }
0x3f: {  	_ =	shalt  }
0x40: {  	_ =	shalt  }
0x41: {  	_ =	shalt  }
0x42: {  	_ =	shalt  }
0x43: {  	_ =	shalt  }
0x44: {  	_ =	shalt  }
0x45: {  	_ =	shalt  }
0x46: {  	_ =	shalt  }
0x47: {  	_ =	shalt  }
0x48: {  	_ =	shalt  }
0x49: {  	_ =	shalt  }
0x4a: {  	_ =	shalt  }
0x4b: {  	_ =	shalt  }
0x4c: {  	_ =	shalt  }
0x4d: {  	_ =	shalt  }
0x4e: {  	_ =	shalt  }
0x4f: {  	_ =	shalt  }
0x50: {  	_ =	shalt  }
0x51: {  	_ =	shalt  }
0x52: {  	_ =	shalt  }
0x53: {  	_ =	shalt  }
0x54: {  	_ =	shalt  }
0x55: {  	_ =	shalt  }
0x56: {  	_ =	shalt  }
0x57: {  	_ =	shalt  }
0x58: {  	_ =	shalt  }
0x59: {  	_ =	shalt  }
0x5a: {  	_ =	shalt  }
0x5b: {  	_ =	shalt  }
0x5c: {  	_ =	shalt  }
0x5d: {  	_ =	shalt  }
0x5e: {  	_ =	shalt  }
0x5f: {  	_ =	shalt  }
0x60: {  	_ =	shalt  }
0x61: {  	_ =	shalt  }
0x62: {  	_ =	shalt  }
0x63: {  	_ =	shalt  }
0x64: {  	_ =	shalt  }
0x65: {  	_ =	shalt  }
0x66: {  	_ =	shalt  }
0x67: {  	_ =	shalt  }
0x68: {  	_ =	shalt  }
0x69: {  	_ =	shalt  }
0x6a: {  	_ =	shalt  }
0x6b: {  	_ =	shalt  }
0x6c: {  	_ =	shalt  }
0x6d: {  	_ =	shalt  }
0x6e: {  	_ =	shalt  }
0x6f: {  	_ =	shalt  }
0x70: {  	_ =	shalt  }
0x71: {  	_ =	shalt  }
0x72: {  	_ =	shalt  }
0x73: {  	_ =	shalt  }
0x74: {  	_ =	shalt  }
0x75: {  	_ =	shalt  }
0x76: {  	_ =	shalt  }
0x77: {  	_ =	shalt  }
0x78: {  	_ =	shalt  }
0x79: {  	_ =	shalt  }
0x7a: {  	_ =	shalt  }
0x7b: {  	_ =	shalt  }
0x7c: {  	_ =	shalt  }
0x7d: {  	_ =	shalt  }
0x7e: {  	_ =	shalt  }
0x7f: {  	_ =	shalt  }
0x80: {  	_ =	shalt  }
0x81: {  	_ =	shalt  }
0x82: {  	_ =	shalt  }
0x83: {  	_ =	shalt  }
0x84: {  	_ =	shalt  }
0x85: {  	_ =	shalt  }
0x86: {  	_ =	shalt  }
0x87: {  	_ =	shalt  }
.Lfunc_end0:
.L_simem_size_0:
called_computation_lowered:
.L_overlay_start_0:
0x88: {  	s2 =	sld [smem:$0x3FD9]  }
0x89: {  	s3 =	sld [smem:$0x3FFE];
	_ =	sdelay $0x1  }
0x8a: {  	s1 =	srdreg.scid  }
0x8b: {  	s0 =	sand.u32 $0x1, s1  }
0x8c: {  	s16 =	sshll.u32 s0, $0xA;
	s2 =	sadd.s32 s3, s2  }
0x8d: {  	s2 =	sadd.s32 s2, s16  }
0x8e: {  	[smem:$0x3FC6] =	sst s2  }
0x8f: {  	_ = 	snop  }
0x90: {  	(tm) =	ssettm $0x1  }
0x91: {  	s17 =	sld [smem:$0x3FFB];
	_ =	sdelay $0x3  }
0x92: {  	_ =	strace s17  }
0x93: {  	s2 =	sld [smem:$0x3FFC];
	_ =	sdelay $0x3  }
0x94: {  	_ =	strace s2  }
0x95: {  	s2 =	sld [smem:$0x3FFD];
	_ =	sdelay $0x3  }
0x96: {  	_ =	strace s2  }
0x97: {  	_ =	strace $0x8FFFFFFF  }
0x98: {  	s18 =	sld [smem:$0x3FDB];
	_ =	sdelay $0x1  }
0x99: {  	s19 =	simm.s32 $_scs_section_size  }
0x9a: {  	s4 =	simm.s32 $_size__tile_overlayer_lowered;
	s5 =	simm.s32 $_tile_overlayer_lowered  }
0x9b: {  	s22 =	simm.s32 $0x1BFF;
	s21 =	sshll.u32 s5, $0x1;
	s2 =	sadd.s32 s19, s18  }
0x9c: {  	s6 =	simm.s32 $0x0;
	s20 =	sshll.u32 s4, $0x1;
	s4 =	sadd.s32 s21, s2  }
0x9d: {  	[timem:s6], [sflag:s22] =	dma.local [hbm:s4], s20  }
0x9e: {  	_ =	swait.ge [sflag:s22], s20  }
0x9f: {  	s3 =	ssub.s32 $0x0, s20;
	[sflag:s22] =	ssyncset.done $0x0  }
0xa0: {  	[sflag:s22] =	ssyncadd.s32 s3;
	_ =	sdelay $0x1  }
0xa1: {  	s23 =	simm.s32 $0x1B8B  }
0xa2: {  	_ =	swait.ge [sflag:s23], $0x1  }
0xa3: {  	[sflag:s23] =	ssyncset.done $0x0  }
0xa4: {  	s25 =	simm.s32 $0x1B8E;
	s24 =	sld [smem:$0x3FFE];
	[sflag:s23] =	ssyncadd.s32 $0xFFFFFFFF  }
0xa5: {  	s26 =	simm.s32 $execute0_lowered;
	[smem:$0x3FD2] =	sst s25  }
0xa6: {  	s4 =	sshll.u32 s26, $0x1;
	_ =	strace $0x80000046;
	[dreg:$0x1] =	wrdreg $0xFFFFFFFF  }
0xa7: {  	s28 =	simm.s32 $_size_execute0_lowered;
	s2 =	sadd.s32 s2, s4;
	[dreg:$0x0] =	wrdreg $0x0  }
0xa8: {  	s4 =	sshll.u32 s28, $0x1;
	[dreg:$0x2] =	wrdreg s2  }
0xa9: {  	[dreg:$0x3] =	wrdreg s4  }
0xaa: {  	[dreg:$0x4] =	wrdreg $0xC0  }
0xab: {  	_ =	task [dreg:s6], $0x5FFFF  }
0xac: {  	[dreg:$0x1] =	wrdreg $0xFFFFFFFF  }
0xad: {  	[dreg:$0x0] =	wrdreg $0x60  }
0xae: {  	[dreg:$0x2] =	wrdreg s24  }
0xaf: {  	[dreg:$0x3] =	wrdreg $0x9  }
0xb0: {  	_ =	task.clear_ibuf [dreg:s6], $0x4FFFF;
	_ =	strace $0x90000046  }
0xb1: {  	s29 =	simm.s32 $0x9;
	_ =	strace $0x80000048  }
0xb2: {  	_ =	swait.ge [sflag:s29], $0x1  }
0xb3: {  	[sflag:s29] =	ssyncadd.s32 $0xFFFFFFFF  }
0xb4: {  	_ =	strace $0x90000048  }
0xb5: {  	_ =	sfence  }
0xb6: {  	s30 =	sld [smem:$0x0];
	_ =	sdelay $0x2  }
0xb7: {  	s31 =	sshll.u32 s1, $0xD;
	s1 =	sshrl.u32 s1, $0x2  }
0xb8: {  	s3 =	sand.u32 $0x4000, s31;
	s1 =	sadd.s32 s1, s30  }
0xb9: {  	s0 =	sor.u32 s3, s0;
	s1 =	sshll.u32 s1, $0x11  }
0xba: {  	s0 =	sor.u32 s1, s0  }
0xbb: {  	s0 =	sadd.s32 $0x8F2B, s0  }
0xbc: {  	[sflag:s0] =	ssyncadd.remote.s32 $0x1  }
0xbd: {  	_ =	sfence.sel $0xFFFF  }
0xbe: {  	[dreg:$0x0] =	wrdreg $0xFFFFFFFF;
	(pc) =	sbr.abs _section_cstart, $3  }
0xbf: {  	[dreg:$0x1] =	wrdreg $0xFFFFFFFF  }
0xc0: {  	_ =	task.clear_ibuf [dreg:s6], $0x2FFFF;
	_ =	strace $0x9FFFFFFF  }
0xc1: {  	(tm) =	ssettm $0x7FFFFFFF  }
tec
execute0_lowered:
.L_overlay_start_1:
0x0: {  	(tag) =	ssettag $0x1  }
0x1: {  	s1 =	srdreg.scid  }
0x2: {  	s0 =	stileid.u32;
	s11 =	sand.u32 $0x1, s1  }
0x3: {  	s30 =	sshll.u32 s0, $0x8;
	s2 =	sshll.u32 s11, $0x7  }
0x4: {  	s10 =	rddreg [dreg:$0x0];
	s8 =	sor.u32 s2, s30  }
0x5: {  	s1 =	rddreg [dreg:$0x1];
	s2 =	simm.s32 $0x0;
	s3 =	sshrl.u32 s8, $0x2  }
0x6: {  	[smem:$0x7FF] =	sst s2;
	s9 =	sadd.s32 s3, s10  }
0x7: {  	_ =	strace $0x80000047;
	s3 =	simm.s32 $0x2;
	s4 =	sadd.s32 $0x40C00, s9  }
0x8: {  	[tilespmem:s2], [sflag:$0x2] =	stream.linear.gather [hbm4b:s4+s2], $0x80, $0x38;
	[tilespmem:$0x4080] =	vst v63  }
0x9: {  	_ =	swait.ge [sflag:s3], $0x80  }
0xa: {  	s6 =	simm.s32 $0x80;
	[sflag:s3] =	ssyncset.done $0x0  }
0xb: {  	s7 =	simm.s32 $0x1;
	s5 =	sadd.s32 $0xC00, s10;
	[sflag:s3] =	ssyncadd.s32 $0xFFFFFF80  }
0xc: {  	[tilespmem:s6], [sflag:$0x1] =	stream.indirect.gather [hbm4b:s5+s6], $0x80, s2, s6, $0xb8;
	[tilespmem:$0x4080] =	vst v63  }
0xd: {  	s8 =	sshll.u32 s8, $0x4;
	_ =	swait.ge [sflag:s7], $0x4000  }
0xe: {  	s12 =	sadd.s32 s8, s10;
	[sflag:s7] =	ssyncset.done $0x0  }
0xf: {  	s8 =	sadd.s32 $0x41000, s12;
	[sflag:s7] =	ssyncadd.s32 $0xFFFFC000  }
0x10: {  	[hbm4b:s8+s2] =	stream.linear.scatter [tilespmem:s6], [sflag:$0x2], $0x4000, $0x38;
	[tilespmem:$0x4080] =	vst v63  }
0x11: {  	_ =	swait.ge [sflag:s3], $0x4000  }
0x12: {  	[sflag:s3] =	ssyncset.done $0x0  }
0x13: {  	s11 =	ssub.s32 $0x2, s11;
	s9 =	sadd.s32 $0x40C10, s9;
	[sflag:s3] =	ssyncadd.s32 $0xFFFFC000  }
0x14: {  	[tilespmem:s2], [sflag:$0x2] =	stream.linear.gather [hbm4b:s9+s2], $0x80, $0x38;
	[tilespmem:$0x4080] =	vst v63  }
0x15: {  	s13 =	sshrl.u32 s11, $0x1;
	_ =	swait.ge [sflag:s3], $0x80  }
0x16: {  	s13 =	ssub.s32 s11, s13;
	[sflag:s3] =	ssyncset.done $0x0  }
0x17: {  	s10 =	sadd.s32 $0x20C00, s10;
	s31 =	smax.u32 s13, $0x1;
	[sflag:s3] =	ssyncadd.s32 $0xFFFFFF80  }
0x18: {  	[tilespmem:s6], [sflag:$0x1] =	stream.indirect.gather [hbm4b:s10+s6], $0x80, s2, s6, $0xb8;
	[tilespmem:$0x4080] =	vst v63  }
0x19: {  	p0 =	sne.s32 s31, $0x1;
	_ =	swait.ge [sflag:s7], $0x4000  }
.Ltmp0:
0x1a: {  	[sflag:s7] =	ssyncset.done $0x0;
	(pc) =	sbr.rel @!p0 .LBB2_2-.Ltmp0, $4  }
0x1b: {  	s11 =	sadd.s32 $0x51000, s12;
	[sflag:s7] =	ssyncadd.s32 $0xFFFFC000  }
0x1c: {  	[hbm4b:s11+s2] =	stream.linear.scatter [tilespmem:s6], [sflag:$0x2], $0x4000, $0x38;
	[tilespmem:$0x4080] =	vst v63  }
0x1d: {  	_ =	swait.ge [sflag:s3], $0x4000  }
0x1e: {  	s12 =	sadd.s32 $0xFFFFFFFF, s31;
	[sflag:s3] =	ssyncset.done $0x0  }
.LBB2_1:
0x1f: {  	p0 =	sne.s32 s12, $0x1;
	s12 =	sadd.s32 $0xFFFFFFFF, s12;
	[sflag:s3] =	ssyncadd.s32 $0xFFFFC000  }
0x20: {  	[tilespmem:s2], [sflag:$0x2] =	stream.linear.gather [hbm4b:s4+s2], $0x80, $0x38;
	[tilespmem:$0x4080] =	vst v63  }
0x21: {  	_ =	swait.ge [sflag:s3], $0x80  }
0x22: {  	[sflag:s3] =	ssyncset.done $0x0  }
0x23: {  	[sflag:s3] =	ssyncadd.s32 $0xFFFFFF80  }
0x24: {  	[tilespmem:s6], [sflag:$0x1] =	stream.indirect.gather [hbm4b:s5+s6], $0x80, s2, s6, $0xb8;
	[tilespmem:$0x4080] =	vst v63  }
0x25: {  	_ =	swait.ge [sflag:s7], $0x4000  }
0x26: {  	[sflag:s7] =	ssyncset.done $0x0  }
0x27: {  	[sflag:s7] =	ssyncadd.s32 $0xFFFFC000  }
0x28: {  	[hbm4b:s8+s2] =	stream.linear.scatter [tilespmem:s6], [sflag:$0x2], $0x4000, $0x38;
	[tilespmem:$0x4080] =	vst v63  }
0x29: {  	_ =	swait.ge [sflag:s3], $0x4000  }
0x2a: {  	[sflag:s3] =	ssyncset.done $0x0  }
0x2b: {  	[sflag:s3] =	ssyncadd.s32 $0xFFFFC000  }
0x2c: {  	[tilespmem:s2], [sflag:$0x2] =	stream.linear.gather [hbm4b:s9+s2], $0x80, $0x38;
	[tilespmem:$0x4080] =	vst v63  }
0x2d: {  	_ =	swait.ge [sflag:s3], $0x80  }
0x2e: {  	[sflag:s3] =	ssyncset.done $0x0  }
0x2f: {  	[sflag:s3] =	ssyncadd.s32 $0xFFFFFF80  }
0x30: {  	[tilespmem:s6], [sflag:$0x1] =	stream.indirect.gather [hbm4b:s10+s6], $0x80, s2, s6, $0xb8;
	[tilespmem:$0x4080] =	vst v63  }
0x31: {  	_ =	swait.ge [sflag:s7], $0x4000  }
.Ltmp1:
0x32: {  	[sflag:s7] =	ssyncset.done $0x0;
	(pc) =	sbr.rel @p0 .LBB2_1-.Ltmp1, $4  }
0x33: {  	[sflag:s7] =	ssyncadd.s32 $0xFFFFC000  }
0x34: {  	[hbm4b:s11+s2] =	stream.linear.scatter [tilespmem:s6], [sflag:$0x2], $0x4000, $0x38;
	[tilespmem:$0x4080] =	vst v63  }
0x35: {  	_ =	swait.ge [sflag:s3], $0x4000  }
0x36: {  	[sflag:s3] =	ssyncset.done $0x0  }
.LBB2_2:
0x37: {  	[sflag:s3] =	ssyncadd.s32 $0xFFFFC000  }
0x38: {  	_ =	sfence.sel $0x180000  }
0x39: {  	[bflag:$0x0] =	sbarrier.arrive $0xFFFF  }
0x3a: {  	p0 =	sne.s32 s0, $0x0;
	_ =	strace $0x90000047  }
0x3b: {  	s0 =	sadd.s32 @!p0 $0x100000, s1;
	[bflag:$0x2] =	sbarrier.arrive $0xFFFF  }
0x3c: {  	[sflag:s0] =	ssyncadd.tile.s32 @!p0 $0x1;
	_ =	shalt  }
.Lfunc_end2:
_tile_overlayer_lowered:
.L_overlay_start_2:
0x3d: {  	(tag) =	ssettag $0x2  }
0x3e: {  	s0 =	rddreg [dreg:$0x0];
	s2 =	stileid.u32  }
0x3f: {  	s1 =	rddreg [dreg:$0x1];
	p0 =	sne.s32 s2, $0x0  }
0x40: {  	s3 =	rddreg [dreg:$0x2];
	[bflag:$0x3] =	sbarrier.arrive $0xFFFF;
	s2 =	simm.s32 @!p0 $0x1C02  }
0x41: {  	[timem:s3], [sflag:s2] =	dma.local @!p0 [hbm:s0], s1  }
0x42: {  	s0 =	simm.s32 @!p0 $0x2  }
0x43: {  	_ =	swait.ge @!p0 [sflag:s0], s1  }
0x44: {  	s1 =	ssub.s32 @!p0 $0x0, s1;
	[sflag:s0] =	ssyncset.done @!p0 $0x0  }
0x45: {  	[sflag:s0] =	ssyncadd.s32 @!p0 s1  }
0x46: {  	[bflag:$0x3] =	sbarrier.arrive $0xFFFF  }
0x47: {  	_ =	shalt  }

</sc_bundles>
